<compile_context>
chip_gen: v7x
topology: tpu7x:2x2x1
jax: 0.10.2.dev20260603
libtpu: 0.0.44.dev20260713+nightly
codegen_flags: <defaults>
</compile_context>

<pallas_src>
import functools

import jax
import jax.numpy as jnp
from jax import lax
from jax.experimental import pallas as pl
from jax.experimental.pallas import tpu as pltpu
from jax.experimental.pallas import tpu_sc as plsc

_C = 8
_PAIRS = [(i, j) for i in range(_C) for j in range(i + 1, _C)]
_DIM = len(_PAIRS)
_NC, _NS, _L = 2, 16, 16
_NW = _NC * _NS
_NPAR = _C + 3 + _DIM
_GW = _L * _C


@functools.lru_cache(maxsize=None)
def _build_sc_kernel(B: int):
    n_groups_total = B // _L
    groups_per_w = n_groups_total // _NW
    mesh = plsc.VectorSubcoreMesh(
        core_axis_name="c", subcore_axis_name="s",
        num_cores=_NC, num_subcores=_NS)

    rows_per_w = B // _NW

    @functools.partial(
        pl.kernel,
        mesh=mesh,
        compiler_params=pltpu.CompilerParams(needs_layout_passes=False),
        out_type=jax.ShapeDtypeStruct((_C, B), jnp.float32),
        scratch_types=[
            pltpu.VMEM((_C, rows_per_w), jnp.float32),
            pltpu.VMEM((_C, rows_per_w), jnp.float32),
            pltpu.VMEM((_NPAR, _L), jnp.float32),
        ],
    )
    def k(x_hbm, par_hbm, out_hbm, xv, ov, pv):
        wid = lax.axis_index("s") * _NC + lax.axis_index("c")
        b0 = wid * rows_per_w
        pltpu.sync_copy(x_hbm.at[:, pl.ds(b0, rows_per_w)], xv)
        pltpu.sync_copy(par_hbm, pv)

        d1 = [pv[c, :] for c in range(_C)]
        sign_bit = jnp.full((_L,), jnp.int32(-2147483648))
        rne_bias = jnp.full((_L,), jnp.int32(32767))
        bf_mask = jnp.full((_L,), jnp.int32(-65536))
        one = jnp.full((_L,), jnp.int32(1))

        def bf_round(x):
            u = plsc.bitcast(x, jnp.int32)
            r = (u + ((u >> 16) & one) + rne_bias) & bf_mask
            return plsc.bitcast(r, jnp.float32)

        w0 = bf_round(pv[_C, :])
        w1 = bf_round(pv[_C + 1, :])
        w2v = bf_round(pv[_C + 2, :])

        def body(g, carry):
            ch = []
            for c in range(_C):
                ch.append(bf_round(xv[c, pl.ds(g * _L, _L)] * d1[c]))
            acc = [None] * _C
            for p, (i, j) in enumerate(_PAIRS):
                d = ch[i] - ch[j]
                a = jnp.abs(d)
                sb = plsc.bitcast(d, jnp.int32) & sign_bit
                a2 = d * d
                v = (bf_round(a) * w0 + bf_round(a2) * w1
                     + bf_round(a2 * a) * w2v)
                v = jnp.maximum(v, v * jnp.float32(0.01))
                v = v * pv[_C + 3 + p, :]
                t = plsc.bitcast(plsc.bitcast(v, jnp.int32) ^ sb, jnp.float32)
                acc[i] = (-t) if acc[i] is None else (acc[i] - t)
                acc[j] = t if acc[j] is None else (acc[j] + t)
            for c in range(_C):
                ov[c, pl.ds(g * _L, _L)] = acc[c]
            return carry

        lax.fori_loop(0, groups_per_w, body, 0, unroll=False)
        pltpu.sync_copy(ov, out_hbm.at[:, pl.ds(b0, rows_per_w)])

    return k


def kernel(x, diag1, w2, diag3, diff_indices, i_idx, j_idx):
    B = x.shape[0]
    par = jnp.concatenate([diag1.astype(jnp.float32),
                           w2[0].astype(jnp.float32),
                           diag3.astype(jnp.float32)])
    par = jnp.broadcast_to(par[:, None], (_NPAR, _L))
    out = _build_sc_kernel(B)(x.T, par)
    return out.T[:, :, None]

# --- scband reference (transcript-rebuilt; emitter-appended) ---
"""Pipeline reference for scband-son-swapnet-80960133529734 (READ-ONLY COPY).

The authoritative reference and input builder live on the scoring server;
editing this copy changes nothing except your own understanding.
"""

import jax, jax.numpy as jnp
import numpy as np

CHANNELS = 8
ORDER = 3
DIM = CHANNELS * (CHANNELS - 1) // 2
BATCH = 16384


def _pair_structure():
    i_list, j_list = [], []
    for i in range(CHANNELS):
        for j in range(i + 1, CHANNELS):
            i_list.append(i)
            j_list.append(j)
    i_idx = np.asarray(i_list, dtype=np.int32)
    j_idx = np.asarray(j_list, dtype=np.int32)
    D = np.zeros((CHANNELS, DIM), dtype=np.float32)
    D[i_idx, np.arange(DIM)] = 1.0
    D[j_idx, np.arange(DIM)] = -1.0
    return jnp.asarray(D), jnp.asarray(i_idx), jnp.asarray(j_idx)


def setup_inputs(seed: int = 0) -> dict:
    key = jax.random.key(seed)
    k1, k2 = jax.random.split(key, 2)
    x = jax.random.normal(k1, (BATCH, CHANNELS), dtype=jnp.float32)
    # learned parameters
    diag1 = jnp.ones((CHANNELS,), dtype=jnp.float32)            # DiagonalLinear(channels).diagonal (init = ones)
    w2 = jax.random.normal(k2, (1, ORDER), dtype=jnp.float32) * (1.0 / np.sqrt(ORDER))  # Grandson_net Linear(order,1,bias=False)
    diag3 = jnp.ones((DIM,), dtype=jnp.float32)                 # DiagonalLinear(dim).diagonal (init = ones)
    D, i_idx, j_idx = _pair_structure()
    return {"x": x, "diag1": diag1, "w2": w2, "diag3": diag3, "diff_indices": D, "i_idx": i_idx, "j_idx": j_idx}


def _leaky_relu(v):
    return jnp.where(v >= 0, v, 0.01 * v)


def reference(x, diag1, w2, diag3, diff_indices, i_idx, j_idx):
    # fc1: DiagonalLinear -> x @ diag_embed(diag1) == column-wise scaling
    out1 = x * diag1[None, :]
    # pairwise differences via diff_indices matrix
    diffs = jnp.matmul(out1, diff_indices)            # [B, DIM]
    sign = jnp.sign(diffs)                            # [B, DIM]
    absd = jnp.abs(diffs)                             # [B, DIM]
    # outputs2 = stack of |d|^(i+1), i=0..order-1 -> [B, DIM, ORDER]
    out2 = jnp.stack([absd ** (p + 1) for p in range(ORDER)], axis=2)
    # fc2 applied per pair (vectorized over the dim loop): Linear(order,1) + LeakyReLU
    out3 = _leaky_relu(jnp.einsum('bdo,o->bd', out2, w2[0]))
    out3 = out3 * sign
    # fc3: DiagonalLinear(dim)
    out3 = out3 * diag3[None, :]
    # scatter pairwise terms into node outputs: node i_idx[p] gets -out3[:,p], node j_idx[p] gets +out3[:,p]
    B = x.shape[0]
    out4 = jnp.zeros((B, CHANNELS), dtype=x.dtype)
    out4 = out4.at[:, i_idx].add(-out3)
    out4 = out4.at[:, j_idx].add(out3)
    return out4[:, :, None]

if __name__ == "__main__":
    import jax
    _d = setup_inputs()
    print(jax.jit(kernel)(*tuple(_d.values())))

</pallas_src>

<mosaic_0001>
#map = affine_map<(d0, d1) -> (0, 0)>
module attributes {stable_mosaic.version = 14 : i64} {
  func.func @k(%arg0: i32, %arg1: i32, %arg2: memref<8x16384xf32, #tpu.memory_space<hbm>>, %arg3: memref<39x16xf32, #tpu.memory_space<hbm>>, %arg4: memref<8x16384xf32, #tpu.memory_space<hbm>>, %arg5: memref<8x512xf32, #tpu.memory_space<vmem>>, %arg6: memref<8x512xf32, #tpu.memory_space<vmem>>, %arg7: memref<39x16xf32, #tpu.memory_space<vmem>>) attributes {dimension_semantics = [#tpu.dimension_semantics<core_parallel>, #tpu.dimension_semantics<subcore_parallel>], iteration_bounds = array<i64: 2, 16>, scalar_prefetch = 0 : i64, scratch_operands = 3 : i64, tpu.core_type = #tpu.core_type<sc_vector_subcore>, window_params = [{transform_indices = #map}, {transform_indices = #map}, {transform_indices = #map}]} {
    %mul3A = arith.constant 2 : i32
    %mul3A_0 = arith.muli %arg1, %mul3A : i32
    %add3A = arith.addi %mul3A_0, %arg0 : i32
    %mul3A_1 = arith.constant 512 : i32
    %mul3A_2 = arith.muli %add3A, %mul3A_1 : i32
    "tpu.region"() ({
      %run_scoped3A = tpu.sem_alloc : memref<!tpu.dma_semaphore, #tpu.memory_space<semaphore_mem>>
      %dma_start3A = arith.constant 0 : i32
      %dma_start3A_82 = tpu.memref_slice %arg2[%dma_start3A, %mul3A_2] : memref<8x16384xf32, #tpu.memory_space<hbm>> -> memref<8x512xf32, #tpu.memory_space<hbm>>
      %dma_start3A_83 = arith.constant 0 : i32
      %dma_start3A_84 = tpu.memref_slice %arg2[%dma_start3A_83, %mul3A_2] : memref<8x16384xf32, #tpu.memory_space<hbm>> -> memref<8x512xf32, #tpu.memory_space<hbm>>
      tpu.enqueue_dma source(%dma_start3A_84 : memref<8x512xf32, #tpu.memory_space<hbm>>) target(%arg5 : memref<8x512xf32, #tpu.memory_space<vmem>>) target_semaphore(%run_scoped3A : memref<!tpu.dma_semaphore, #tpu.memory_space<semaphore_mem>>)
      %dma_wait3A = arith.constant 0 : i32
      %dma_wait3A_85 = tpu.memref_slice %arg2[%dma_wait3A, %mul3A_2] : memref<8x16384xf32, #tpu.memory_space<hbm>> -> memref<8x512xf32, #tpu.memory_space<hbm>>
      %dma_wait3A_86 = arith.constant 0 : i32
      %dma_wait3A_87 = tpu.memref_slice %arg2[%dma_wait3A_86, %mul3A_2] : memref<8x16384xf32, #tpu.memory_space<hbm>> -> memref<8x512xf32, #tpu.memory_space<hbm>>
      tpu.wait_dma2 semaphore(%run_scoped3A : memref<!tpu.dma_semaphore, #tpu.memory_space<semaphore_mem>>) src(%dma_wait3A_87 : memref<8x512xf32, #tpu.memory_space<hbm>>) dst(%arg5 : memref<8x512xf32, #tpu.memory_space<vmem>>)
      tpu.yield
    }) : () -> ()
    "tpu.region"() ({
      %run_scoped3A = tpu.sem_alloc : memref<!tpu.dma_semaphore, #tpu.memory_space<semaphore_mem>>
      tpu.enqueue_dma source(%arg3 : memref<39x16xf32, #tpu.memory_space<hbm>>) target(%arg7 : memref<39x16xf32, #tpu.memory_space<vmem>>) target_semaphore(%run_scoped3A : memref<!tpu.dma_semaphore, #tpu.memory_space<semaphore_mem>>)
      tpu.wait_dma2 semaphore(%run_scoped3A : memref<!tpu.dma_semaphore, #tpu.memory_space<semaphore_mem>>) src(%arg3 : memref<39x16xf32, #tpu.memory_space<hbm>>) dst(%arg7 : memref<39x16xf32, #tpu.memory_space<vmem>>)
      tpu.yield
    }) : () -> ()
    %get3A = arith.constant 0 : i32
    %get3A_3 = arith.index_cast %get3A : i32 to index
    %get3A_4 = arith.constant 0 : index
    %get3A_5 = tpu.vector_load %arg7[%get3A_3, %get3A_4] {strides = array<i32>} : memref<39x16xf32, #tpu.memory_space<vmem>>, vector<16xf32>,
    %get3A_6 = arith.constant 1 : i32
    %get3A_7 = arith.index_cast %get3A_6 : i32 to index
    %get3A_8 = arith.constant 0 : index
    %get3A_9 = tpu.vector_load %arg7[%get3A_7, %get3A_8] {strides = array<i32>} : memref<39x16xf32, #tpu.memory_space<vmem>>, vector<16xf32>,
    %get3A_10 = arith.constant 2 : i32
    %get3A_11 = arith.index_cast %get3A_10 : i32 to index
    %get3A_12 = arith.constant 0 : index
    %get3A_13 = tpu.vector_load %arg7[%get3A_11, %get3A_12] {strides = array<i32>} : memref<39x16xf32, #tpu.memory_space<vmem>>, vector<16xf32>,
    %get3A_14 = arith.constant 3 : i32
    %get3A_15 = arith.index_cast %get3A_14 : i32 to index
    %get3A_16 = arith.constant 0 : index
    %get3A_17 = tpu.vector_load %arg7[%get3A_15, %get3A_16] {strides = array<i32>} : memref<39x16xf32, #tpu.memory_space<vmem>>, vector<16xf32>,
    %get3A_18 = arith.constant 4 : i32
    %get3A_19 = arith.index_cast %get3A_18 : i32 to index
    %get3A_20 = arith.constant 0 : index
    %get3A_21 = tpu.vector_load %arg7[%get3A_19, %get3A_20] {strides = array<i32>} : memref<39x16xf32, #tpu.memory_space<vmem>>, vector<16xf32>,
    %get3A_22 = arith.constant 5 : i32
    %get3A_23 = arith.index_cast %get3A_22 : i32 to index
    %get3A_24 = arith.constant 0 : index
    %get3A_25 = tpu.vector_load %arg7[%get3A_23, %get3A_24] {strides = array<i32>} : memref<39x16xf32, #tpu.memory_space<vmem>>, vector<16xf32>,
    %get3A_26 = arith.constant 6 : i32
    %get3A_27 = arith.index_cast %get3A_26 : i32 to index
    %get3A_28 = arith.constant 0 : index
    %get3A_29 = tpu.vector_load %arg7[%get3A_27, %get3A_28] {strides = array<i32>} : memref<39x16xf32, #tpu.memory_space<vmem>>, vector<16xf32>,
    %get3A_30 = arith.constant 7 : i32
    %get3A_31 = arith.index_cast %get3A_30 : i32 to index
    %get3A_32 = arith.constant 0 : index
    %get3A_33 = tpu.vector_load %arg7[%get3A_31, %get3A_32] {strides = array<i32>} : memref<39x16xf32, #tpu.memory_space<vmem>>, vector<16xf32>,
    %broadcast_in_dim3A = arith.constant -2147483648 : i32
    %broadcast_in_dim3A_34 = vector.broadcast %broadcast_in_dim3A : i32 to vector<16xi32>
    %broadcast_in_dim3A_35 = arith.constant 32767 : i32
    %broadcast_in_dim3A_36 = vector.broadcast %broadcast_in_dim3A_35 : i32 to vector<16xi32>
    %broadcast_in_dim3A_37 = arith.constant -65536 : i32
    %broadcast_in_dim3A_38 = vector.broadcast %broadcast_in_dim3A_37 : i32 to vector<16xi32>
    %broadcast_in_dim3A_39 = arith.constant 1 : i32
    %broadcast_in_dim3A_40 = vector.broadcast %broadcast_in_dim3A_39 : i32 to vector<16xi32>
    %get3A_41 = arith.constant 8 : i32
    %get3A_42 = arith.index_cast %get3A_41 : i32 to index
    %get3A_43 = arith.constant 0 : index
    %get3A_44 = tpu.vector_load %arg7[%get3A_42, %get3A_43] {strides = array<i32>} : memref<39x16xf32, #tpu.memory_space<vmem>>, vector<16xf32>,
    %bitcast3A = vector.bitcast %get3A_44 : vector<16xf32> to vector<16xi32>
    %shift_right_arithmetic3A = arith.constant 16 : i32
    %shift_right_arithmetic3A_45 = vector.broadcast %shift_right_arithmetic3A : i32 to vector<16xi32>
    %shift_right_arithmetic3A_46 = arith.shrsi %bitcast3A, %shift_right_arithmetic3A_45 : vector<16xi32>
    %and3A = arith.andi %shift_right_arithmetic3A_46, %broadcast_in_dim3A_40 : vector<16xi32>
    %add3A_47 = arith.addi %bitcast3A, %and3A : vector<16xi32>
    %add3A_48 = arith.addi %add3A_47, %broadcast_in_dim3A_36 : vector<16xi32>
    %and3A_49 = arith.andi %add3A_48, %broadcast_in_dim3A_38 : vector<16xi32>
    %bitcast3A_50 = vector.bitcast %and3A_49 : vector<16xi32> to vector<16xf32>
    %get3A_51 = arith.constant 9 : i32
    %get3A_52 = arith.index_cast %get3A_51 : i32 to index
    %get3A_53 = arith.constant 0 : index
    %get3A_54 = tpu.vector_load %arg7[%get3A_52, %get3A_53] {strides = array<i32>} : memref<39x16xf32, #tpu.memory_space<vmem>>, vector<16xf32>,
    %bitcast3A_55 = vector.bitcast %get3A_54 : vector<16xf32> to vector<16xi32>
    %shift_right_arithmetic3A_56 = arith.constant 16 : i32
    %shift_right_arithmetic3A_57 = vector.broadcast %shift_right_arithmetic3A_56 : i32 to vector<16xi32>
    %shift_right_arithmetic3A_58 = arith.shrsi %bitcast3A_55, %shift_right_arithmetic3A_57 : vector<16xi32>
    %and3A_59 = arith.andi %shift_right_arithmetic3A_58, %broadcast_in_dim3A_40 : vector<16xi32>
    %add3A_60 = arith.addi %bitcast3A_55, %and3A_59 : vector<16xi32>
    %add3A_61 = arith.addi %add3A_60, %broadcast_in_dim3A_36 : vector<16xi32>
    %and3A_62 = arith.andi %add3A_61, %broadcast_in_dim3A_38 : vector<16xi32>
    %bitcast3A_63 = vector.bitcast %and3A_62 : vector<16xi32> to vector<16xf32>
    %get3A_64 = arith.constant 10 : i32
    %get3A_65 = arith.index_cast %get3A_64 : i32 to index
    %get3A_66 = arith.constant 0 : index
    %get3A_67 = tpu.vector_load %arg7[%get3A_65, %get3A_66] {strides = array<i32>} : memref<39x16xf32, #tpu.memory_space<vmem>>, vector<16xf32>,
    %bitcast3A_68 = vector.bitcast %get3A_67 : vector<16xf32> to vector<16xi32>
    %shift_right_arithmetic3A_69 = arith.constant 16 : i32
    %shift_right_arithmetic3A_70 = vector.broadcast %shift_right_arithmetic3A_69 : i32 to vector<16xi32>
    %shift_right_arithmetic3A_71 = arith.shrsi %bitcast3A_68, %shift_right_arithmetic3A_70 : vector<16xi32>
    %and3A_72 = arith.andi %shift_right_arithmetic3A_71, %broadcast_in_dim3A_40 : vector<16xi32>
    %add3A_73 = arith.addi %bitcast3A_68, %and3A_72 : vector<16xi32>
    %add3A_74 = arith.addi %add3A_73, %broadcast_in_dim3A_36 : vector<16xi32>
    %and3A_75 = arith.andi %add3A_74, %broadcast_in_dim3A_38 : vector<16xi32>
    %bitcast3A_76 = vector.bitcast %and3A_75 : vector<16xi32> to vector<16xf32>
    %scan3A = arith.constant 0 : i32
    %scan3A_77 = arith.constant 0 : i32
    %scan3A_78 = arith.constant 32 : i32
    %scan3A_79 = arith.addi %scan3A_77, %scan3A_78 : i32
    %scan3A_80 = arith.constant 1 : i32
    scf.for %scan3A_82 = %scan3A_77 to %scan3A_79 step %scan3A_80  : i32 {
      %mul3A_83 = arith.constant 16 : i32
      %mul3A_84 = arith.muli %scan3A_82, %mul3A_83 : i32
      %get3A_85 = arith.constant 0 : i32
      %get3A_86 = arith.index_cast %get3A_85 : i32 to index
      %get3A_87 = arith.index_cast %mul3A_84 : i32 to index
      %get3A_88 = tpu.vector_load %arg5[%get3A_86, %get3A_87] {strides = array<i32>} : memref<8x512xf32, #tpu.memory_space<vmem>>, vector<16xf32>,
      %mul3A_89 = arith.mulf %get3A_88, %get3A_5 : vector<16xf32>
      %bitcast3A_90 = vector.bitcast %mul3A_89 : vector<16xf32> to vector<16xi32>
      %shift_right_arithmetic3A_91 = arith.constant 16 : i32
      %shift_right_arithmetic3A_92 = vector.broadcast %shift_right_arithmetic3A_91 : i32 to vector<16xi32>
      %shift_right_arithmetic3A_93 = arith.shrsi %bitcast3A_90, %shift_right_arithmetic3A_92 : vector<16xi32>
      %and3A_94 = arith.andi %shift_right_arithmetic3A_93, %broadcast_in_dim3A_40 : vector<16xi32>
      %add3A_95 = arith.addi %bitcast3A_90, %and3A_94 : vector<16xi32>
      %add3A_96 = arith.addi %add3A_95, %broadcast_in_dim3A_36 : vector<16xi32>
      %and3A_97 = arith.andi %add3A_96, %broadcast_in_dim3A_38 : vector<16xi32>
      %bitcast3A_98 = vector.bitcast %and3A_97 : vector<16xi32> to vector<16xf32>
      %mul3A_99 = arith.constant 16 : i32
      %mul3A_100 = arith.muli %scan3A_82, %mul3A_99 : i32
      %get3A_101 = arith.constant 1 : i32
      %get3A_102 = arith.index_cast %get3A_101 : i32 to index
      %get3A_103 = arith.index_cast %mul3A_100 : i32 to index
      %get3A_104 = tpu.vector_load %arg5[%get3A_102, %get3A_103] {strides = array<i32>} : memref<8x512xf32, #tpu.memory_space<vmem>>, vector<16xf32>,
      %mul3A_105 = arith.mulf %get3A_104, %get3A_9 : vector<16xf32>
      %bitcast3A_106 = vector.bitcast %mul3A_105 : vector<16xf32> to vector<16xi32>
      %shift_right_arithmetic3A_107 = arith.constant 16 : i32
      %shift_right_arithmetic3A_108 = vector.broadcast %shift_right_arithmetic3A_107 : i32 to vector<16xi32>
      %shift_right_arithmetic3A_109 = arith.shrsi %bitcast3A_106, %shift_right_arithmetic3A_108 : vector<16xi32>
      %and3A_110 = arith.andi %shift_right_arithmetic3A_109, %broadcast_in_dim3A_40 : vector<16xi32>
      %add3A_111 = arith.addi %bitcast3A_106, %and3A_110 : vector<16xi32>
      %add3A_112 = arith.addi %add3A_111, %broadcast_in_dim3A_36 : vector<16xi32>
      %and3A_113 = arith.andi %add3A_112, %broadcast_in_dim3A_38 : vector<16xi32>
      %bitcast3A_114 = vector.bitcast %and3A_113 : vector<16xi32> to vector<16xf32>
      %mul3A_115 = arith.constant 16 : i32
      %mul3A_116 = arith.muli %scan3A_82, %mul3A_115 : i32
      %get3A_117 = arith.constant 2 : i32
      %get3A_118 = arith.index_cast %get3A_117 : i32 to index
      %get3A_119 = arith.index_cast %mul3A_116 : i32 to index
      %get3A_120 = tpu.vector_load %arg5[%get3A_118, %get3A_119] {strides = array<i32>} : memref<8x512xf32, #tpu.memory_space<vmem>>, vector<16xf32>,
      %mul3A_121 = arith.mulf %get3A_120, %get3A_13 : vector<16xf32>
      %bitcast3A_122 = vector.bitcast %mul3A_121 : vector<16xf32> to vector<16xi32>
      %shift_right_arithmetic3A_123 = arith.constant 16 : i32
      %shift_right_arithmetic3A_124 = vector.broadcast %shift_right_arithmetic3A_123 : i32 to vector<16xi32>
      %shift_right_arithmetic3A_125 = arith.shrsi %bitcast3A_122, %shift_right_arithmetic3A_124 : vector<16xi32>
      %and3A_126 = arith.andi %shift_right_arithmetic3A_125, %broadcast_in_dim3A_40 : vector<16xi32>
      %add3A_127 = arith.addi %bitcast3A_122, %and3A_126 : vector<16xi32>
      %add3A_128 = arith.addi %add3A_127, %broadcast_in_dim3A_36 : vector<16xi32>
      %and3A_129 = arith.andi %add3A_128, %broadcast_in_dim3A_38 : vector<16xi32>
      %bitcast3A_130 = vector.bitcast %and3A_129 : vector<16xi32> to vector<16xf32>
      %mul3A_131 = arith.constant 16 : i32
      %mul3A_132 = arith.muli %scan3A_82, %mul3A_131 : i32
      %get3A_133 = arith.constant 3 : i32
      %get3A_134 = arith.index_cast %get3A_133 : i32 to index
      %get3A_135 = arith.index_cast %mul3A_132 : i32 to index
      %get3A_136 = tpu.vector_load %arg5[%get3A_134, %get3A_135] {strides = array<i32>} : memref<8x512xf32, #tpu.memory_space<vmem>>, vector<16xf32>,
      %mul3A_137 = arith.mulf %get3A_136, %get3A_17 : vector<16xf32>
      %bitcast3A_138 = vector.bitcast %mul3A_137 : vector<16xf32> to vector<16xi32>
      %shift_right_arithmetic3A_139 = arith.constant 16 : i32
      %shift_right_arithmetic3A_140 = vector.broadcast %shift_right_arithmetic3A_139 : i32 to vector<16xi32>
      %shift_right_arithmetic3A_141 = arith.shrsi %bitcast3A_138, %shift_right_arithmetic3A_140 : vector<16xi32>
      %and3A_142 = arith.andi %shift_right_arithmetic3A_141, %broadcast_in_dim3A_40 : vector<16xi32>
      %add3A_143 = arith.addi %bitcast3A_138, %and3A_142 : vector<16xi32>
      %add3A_144 = arith.addi %add3A_143, %broadcast_in_dim3A_36 : vector<16xi32>
      %and3A_145 = arith.andi %add3A_144, %broadcast_in_dim3A_38 : vector<16xi32>
      %bitcast3A_146 = vector.bitcast %and3A_145 : vector<16xi32> to vector<16xf32>
      %mul3A_147 = arith.constant 16 : i32
      %mul3A_148 = arith.muli %scan3A_82, %mul3A_147 : i32
      %get3A_149 = arith.constant 4 : i32
      %get3A_150 = arith.index_cast %get3A_149 : i32 to index
      %get3A_151 = arith.index_cast %mul3A_148 : i32 to index
      %get3A_152 = tpu.vector_load %arg5[%get3A_150, %get3A_151] {strides = array<i32>} : memref<8x512xf32, #tpu.memory_space<vmem>>, vector<16xf32>,
      %mul3A_153 = arith.mulf %get3A_152, %get3A_21 : vector<16xf32>
      %bitcast3A_154 = vector.bitcast %mul3A_153 : vector<16xf32> to vector<16xi32>
      %shift_right_arithmetic3A_155 = arith.constant 16 : i32
      %shift_right_arithmetic3A_156 = vector.broadcast %shift_right_arithmetic3A_155 : i32 to vector<16xi32>
      %shift_right_arithmetic3A_157 = arith.shrsi %bitcast3A_154, %shift_right_arithmetic3A_156 : vector<16xi32>
      %and3A_158 = arith.andi %shift_right_arithmetic3A_157, %broadcast_in_dim3A_40 : vector<16xi32>
      %add3A_159 = arith.addi %bitcast3A_154, %and3A_158 : vector<16xi32>
      %add3A_160 = arith.addi %add3A_159, %broadcast_in_dim3A_36 : vector<16xi32>
      %and3A_161 = arith.andi %add3A_160, %broadcast_in_dim3A_38 : vector<16xi32>
      %bitcast3A_162 = vector.bitcast %and3A_161 : vector<16xi32> to vector<16xf32>
      %mul3A_163 = arith.constant 16 : i32
      %mul3A_164 = arith.muli %scan3A_82, %mul3A_163 : i32
      %get3A_165 = arith.constant 5 : i32
      %get3A_166 = arith.index_cast %get3A_165 : i32 to index
      %get3A_167 = arith.index_cast %mul3A_164 : i32 to index
      %get3A_168 = tpu.vector_load %arg5[%get3A_166, %get3A_167] {strides = array<i32>} : memref<8x512xf32, #tpu.memory_space<vmem>>, vector<16xf32>,
      %mul3A_169 = arith.mulf %get3A_168, %get3A_25 : vector<16xf32>
      %bitcast3A_170 = vector.bitcast %mul3A_169 : vector<16xf32> to vector<16xi32>
      %shift_right_arithmetic3A_171 = arith.constant 16 : i32
      %shift_right_arithmetic3A_172 = vector.broadcast %shift_right_arithmetic3A_171 : i32 to vector<16xi32>
      %shift_right_arithmetic3A_173 = arith.shrsi %bitcast3A_170, %shift_right_arithmetic3A_172 : vector<16xi32>
      %and3A_174 = arith.andi %shift_right_arithmetic3A_173, %broadcast_in_dim3A_40 : vector<16xi32>
      %add3A_175 = arith.addi %bitcast3A_170, %and3A_174 : vector<16xi32>
      %add3A_176 = arith.addi %add3A_175, %broadcast_in_dim3A_36 : vector<16xi32>
      %and3A_177 = arith.andi %add3A_176, %broadcast_in_dim3A_38 : vector<16xi32>
      %bitcast3A_178 = vector.bitcast %and3A_177 : vector<16xi32> to vector<16xf32>
      %mul3A_179 = arith.constant 16 : i32
      %mul3A_180 = arith.muli %scan3A_82, %mul3A_179 : i32
      %get3A_181 = arith.constant 6 : i32
      %get3A_182 = arith.index_cast %get3A_181 : i32 to index
      %get3A_183 = arith.index_cast %mul3A_180 : i32 to index
      %get3A_184 = tpu.vector_load %arg5[%get3A_182, %get3A_183] {strides = array<i32>} : memref<8x512xf32, #tpu.memory_space<vmem>>, vector<16xf32>,
      %mul3A_185 = arith.mulf %get3A_184, %get3A_29 : vector<16xf32>
      %bitcast3A_186 = vector.bitcast %mul3A_185 : vector<16xf32> to vector<16xi32>
      %shift_right_arithmetic3A_187 = arith.constant 16 : i32
      %shift_right_arithmetic3A_188 = vector.broadcast %shift_right_arithmetic3A_187 : i32 to vector<16xi32>
      %shift_right_arithmetic3A_189 = arith.shrsi %bitcast3A_186, %shift_right_arithmetic3A_188 : vector<16xi32>
      %and3A_190 = arith.andi %shift_right_arithmetic3A_189, %broadcast_in_dim3A_40 : vector<16xi32>
      %add3A_191 = arith.addi %bitcast3A_186, %and3A_190 : vector<16xi32>
      %add3A_192 = arith.addi %add3A_191, %broadcast_in_dim3A_36 : vector<16xi32>
      %and3A_193 = arith.andi %add3A_192, %broadcast_in_dim3A_38 : vector<16xi32>
      %bitcast3A_194 = vector.bitcast %and3A_193 : vector<16xi32> to vector<16xf32>
      %mul3A_195 = arith.constant 16 : i32
      %mul3A_196 = arith.muli %scan3A_82, %mul3A_195 : i32
      %get3A_197 = arith.constant 7 : i32
      %get3A_198 = arith.index_cast %get3A_197 : i32 to index
      %get3A_199 = arith.index_cast %mul3A_196 : i32 to index
      %get3A_200 = tpu.vector_load %arg5[%get3A_198, %get3A_199] {strides = array<i32>} : memref<8x512xf32, #tpu.memory_space<vmem>>, vector<16xf32>,
      %mul3A_201 = arith.mulf %get3A_200, %get3A_33 : vector<16xf32>
      %bitcast3A_202 = vector.bitcast %mul3A_201 : vector<16xf32> to vector<16xi32>
      %shift_right_arithmetic3A_203 = arith.constant 16 : i32
      %shift_right_arithmetic3A_204 = vector.broadcast %shift_right_arithmetic3A_203 : i32 to vector<16xi32>
      %shift_right_arithmetic3A_205 = arith.shrsi %bitcast3A_202, %shift_right_arithmetic3A_204 : vector<16xi32>
      %and3A_206 = arith.andi %shift_right_arithmetic3A_205, %broadcast_in_dim3A_40 : vector<16xi32>
      %add3A_207 = arith.addi %bitcast3A_202, %and3A_206 : vector<16xi32>
      %add3A_208 = arith.addi %add3A_207, %broadcast_in_dim3A_36 : vector<16xi32>
      %and3A_209 = arith.andi %add3A_208, %broadcast_in_dim3A_38 : vector<16xi32>
      %bitcast3A_210 = vector.bitcast %and3A_209 : vector<16xi32> to vector<16xf32>
      %sub3A = arith.subf %bitcast3A_98, %bitcast3A_114 : vector<16xf32>
      %abs3A = math.absf %sub3A : vector<16xf32>
      %bitcast3A_211 = vector.bitcast %sub3A : vector<16xf32> to vector<16xi32>
      %and3A_212 = arith.andi %bitcast3A_211, %broadcast_in_dim3A_34 : vector<16xi32>
      %mul3A_213 = arith.mulf %sub3A, %sub3A : vector<16xf32>
      %bitcast3A_214 = vector.bitcast %abs3A : vector<16xf32> to vector<16xi32>
      %shift_right_arithmetic3A_215 = arith.constant 16 : i32
      %shift_right_arithmetic3A_216 = vector.broadcast %shift_right_arithmetic3A_215 : i32 to vector<16xi32>
      %shift_right_arithmetic3A_217 = arith.shrsi %bitcast3A_214, %shift_right_arithmetic3A_216 : vector<16xi32>
      %and3A_218 = arith.andi %shift_right_arithmetic3A_217, %broadcast_in_dim3A_40 : vector<16xi32>
      %add3A_219 = arith.addi %bitcast3A_214, %and3A_218 : vector<16xi32>
      %add3A_220 = arith.addi %add3A_219, %broadcast_in_dim3A_36 : vector<16xi32>
      %and3A_221 = arith.andi %add3A_220, %broadcast_in_dim3A_38 : vector<16xi32>
      %bitcast3A_222 = vector.bitcast %and3A_221 : vector<16xi32> to vector<16xf32>
      %mul3A_223 = arith.mulf %bitcast3A_222, %bitcast3A_50 : vector<16xf32>
      %bitcast3A_224 = vector.bitcast %mul3A_213 : vector<16xf32> to vector<16xi32>
      %shift_right_arithmetic3A_225 = arith.constant 16 : i32
      %shift_right_arithmetic3A_226 = vector.broadcast %shift_right_arithmetic3A_225 : i32 to vector<16xi32>
      %shift_right_arithmetic3A_227 = arith.shrsi %bitcast3A_224, %shift_right_arithmetic3A_226 : vector<16xi32>
      %and3A_228 = arith.andi %shift_right_arithmetic3A_227, %broadcast_in_dim3A_40 : vector<16xi32>
      %add3A_229 = arith.addi %bitcast3A_224, %and3A_228 : vector<16xi32>
      %add3A_230 = arith.addi %add3A_229, %broadcast_in_dim3A_36 : vector<16xi32>
      %and3A_231 = arith.andi %add3A_230, %broadcast_in_dim3A_38 : vector<16xi32>
      %bitcast3A_232 = vector.bitcast %and3A_231 : vector<16xi32> to vector<16xf32>
      %mul3A_233 = arith.mulf %bitcast3A_232, %bitcast3A_63 : vector<16xf32>
      %add3A_234 = arith.addf %mul3A_223, %mul3A_233 : vector<16xf32>
      %mul3A_235 = arith.mulf %mul3A_213, %abs3A : vector<16xf32>
      %bitcast3A_236 = vector.bitcast %mul3A_235 : vector<16xf32> to vector<16xi32>
      %shift_right_arithmetic3A_237 = arith.constant 16 : i32
      %shift_right_arithmetic3A_238 = vector.broadcast %shift_right_arithmetic3A_237 : i32 to vector<16xi32>
      %shift_right_arithmetic3A_239 = arith.shrsi %bitcast3A_236, %shift_right_arithmetic3A_238 : vector<16xi32>
      %and3A_240 = arith.andi %shift_right_arithmetic3A_239, %broadcast_in_dim3A_40 : vector<16xi32>
      %add3A_241 = arith.addi %bitcast3A_236, %and3A_240 : vector<16xi32>
      %add3A_242 = arith.addi %add3A_241, %broadcast_in_dim3A_36 : vector<16xi32>
      %and3A_243 = arith.andi %add3A_242, %broadcast_in_dim3A_38 : vector<16xi32>
      %bitcast3A_244 = vector.bitcast %and3A_243 : vector<16xi32> to vector<16xf32>
      %mul3A_245 = arith.mulf %bitcast3A_244, %bitcast3A_76 : vector<16xf32>
      %add3A_246 = arith.addf %add3A_234, %mul3A_245 : vector<16xf32>
      %mul3A_247 = arith.constant 0.00999999977 : f32
      %mul3A_248 = vector.broadcast %mul3A_247 : f32 to vector<16xf32>
      %mul3A_249 = arith.mulf %add3A_246, %mul3A_248 : vector<16xf32>
      %max3A = arith.maximumf %add3A_246, %mul3A_249 : vector<16xf32>
      %get3A_250 = arith.constant 11 : i32
      %get3A_251 = arith.index_cast %get3A_250 : i32 to index
      %get3A_252 = arith.constant 0 : index
      %get3A_253 = tpu.vector_load %arg7[%get3A_251, %get3A_252] {strides = array<i32>} : memref<39x16xf32, #tpu.memory_space<vmem>>, vector<16xf32>,
      %mul3A_254 = arith.mulf %max3A, %get3A_253 : vector<16xf32>
      %bitcast3A_255 = vector.bitcast %mul3A_254 : vector<16xf32> to vector<16xi32>
      %xor3A = arith.xori %bitcast3A_255, %and3A_212 : vector<16xi32>
      %bitcast3A_256 = vector.bitcast %xor3A : vector<16xi32> to vector<16xf32>
      %neg3A = arith.constant 0.000000e+00 : f32
      %neg3A_257 = vector.broadcast %neg3A : f32 to vector<16xf32>
      %neg3A_258 = arith.subf %neg3A_257, %bitcast3A_256 : vector<16xf32>
      %sub3A_259 = arith.subf %bitcast3A_98, %bitcast3A_130 : vector<16xf32>
      %abs3A_260 = math.absf %sub3A_259 : vector<16xf32>
      %bitcast3A_261 = vector.bitcast %sub3A_259 : vector<16xf32> to vector<16xi32>
      %and3A_262 = arith.andi %bitcast3A_261, %broadcast_in_dim3A_34 : vector<16xi32>
      %mul3A_263 = arith.mulf %sub3A_259, %sub3A_259 : vector<16xf32>
      %bitcast3A_264 = vector.bitcast %abs3A_260 : vector<16xf32> to vector<16xi32>
      %shift_right_arithmetic3A_265 = arith.constant 16 : i32
      %shift_right_arithmetic3A_266 = vector.broadcast %shift_right_arithmetic3A_265 : i32 to vector<16xi32>
      %shift_right_arithmetic3A_267 = arith.shrsi %bitcast3A_264, %shift_right_arithmetic3A_266 : vector<16xi32>
      %and3A_268 = arith.andi %shift_right_arithmetic3A_267, %broadcast_in_dim3A_40 : vector<16xi32>
      %add3A_269 = arith.addi %bitcast3A_264, %and3A_268 : vector<16xi32>
      %add3A_270 = arith.addi %add3A_269, %broadcast_in_dim3A_36 : vector<16xi32>
      %and3A_271 = arith.andi %add3A_270, %broadcast_in_dim3A_38 : vector<16xi32>
      %bitcast3A_272 = vector.bitcast %and3A_271 : vector<16xi32> to vector<16xf32>
      %mul3A_273 = arith.mulf %bitcast3A_272, %bitcast3A_50 : vector<16xf32>
      %bitcast3A_274 = vector.bitcast %mul3A_263 : vector<16xf32> to vector<16xi32>
      %shift_right_arithmetic3A_275 = arith.constant 16 : i32
      %shift_right_arithmetic3A_276 = vector.broadcast %shift_right_arithmetic3A_275 : i32 to vector<16xi32>
      %shift_right_arithmetic3A_277 = arith.shrsi %bitcast3A_274, %shift_right_arithmetic3A_276 : vector<16xi32>
      %and3A_278 = arith.andi %shift_right_arithmetic3A_277, %broadcast_in_dim3A_40 : vector<16xi32>
      %add3A_279 = arith.addi %bitcast3A_274, %and3A_278 : vector<16xi32>
      %add3A_280 = arith.addi %add3A_279, %broadcast_in_dim3A_36 : vector<16xi32>
      %and3A_281 = arith.andi %add3A_280, %broadcast_in_dim3A_38 : vector<16xi32>
      %bitcast3A_282 = vector.bitcast %and3A_281 : vector<16xi32> to vector<16xf32>
      %mul3A_283 = arith.mulf %bitcast3A_282, %bitcast3A_63 : vector<16xf32>
      %add3A_284 = arith.addf %mul3A_273, %mul3A_283 : vector<16xf32>
      %mul3A_285 = arith.mulf %mul3A_263, %abs3A_260 : vector<16xf32>
      %bitcast3A_286 = vector.bitcast %mul3A_285 : vector<16xf32> to vector<16xi32>
      %shift_right_arithmetic3A_287 = arith.constant 16 : i32
      %shift_right_arithmetic3A_288 = vector.broadcast %shift_right_arithmetic3A_287 : i32 to vector<16xi32>
      %shift_right_arithmetic3A_289 = arith.shrsi %bitcast3A_286, %shift_right_arithmetic3A_288 : vector<16xi32>
      %and3A_290 = arith.andi %shift_right_arithmetic3A_289, %broadcast_in_dim3A_40 : vector<16xi32>
      %add3A_291 = arith.addi %bitcast3A_286, %and3A_290 : vector<16xi32>
      %add3A_292 = arith.addi %add3A_291, %broadcast_in_dim3A_36 : vector<16xi32>
      %and3A_293 = arith.andi %add3A_292, %broadcast_in_dim3A_38 : vector<16xi32>
      %bitcast3A_294 = vector.bitcast %and3A_293 : vector<16xi32> to vector<16xf32>
      %mul3A_295 = arith.mulf %bitcast3A_294, %bitcast3A_76 : vector<16xf32>
      %add3A_296 = arith.addf %add3A_284, %mul3A_295 : vector<16xf32>
      %mul3A_297 = arith.constant 0.00999999977 : f32
      %mul3A_298 = vector.broadcast %mul3A_297 : f32 to vector<16xf32>
      %mul3A_299 = arith.mulf %add3A_296, %mul3A_298 : vector<16xf32>
      %max3A_300 = arith.maximumf %add3A_296, %mul3A_299 : vector<16xf32>
      %get3A_301 = arith.constant 12 : i32
      %get3A_302 = arith.index_cast %get3A_301 : i32 to index
      %get3A_303 = arith.constant 0 : index
      %get3A_304 = tpu.vector_load %arg7[%get3A_302, %get3A_303] {strides = array<i32>} : memref<39x16xf32, #tpu.memory_space<vmem>>, vector<16xf32>,
      %mul3A_305 = arith.mulf %max3A_300, %get3A_304 : vector<16xf32>
      %bitcast3A_306 = vector.bitcast %mul3A_305 : vector<16xf32> to vector<16xi32>
      %xor3A_307 = arith.xori %bitcast3A_306, %and3A_262 : vector<16xi32>
      %bitcast3A_308 = vector.bitcast %xor3A_307 : vector<16xi32> to vector<16xf32>
      %sub3A_309 = arith.subf %neg3A_258, %bitcast3A_308 : vector<16xf32>
      %sub3A_310 = arith.subf %bitcast3A_98, %bitcast3A_146 : vector<16xf32>
      %abs3A_311 = math.absf %sub3A_310 : vector<16xf32>
      %bitcast3A_312 = vector.bitcast %sub3A_310 : vector<16xf32> to vector<16xi32>
      %and3A_313 = arith.andi %bitcast3A_312, %broadcast_in_dim3A_34 : vector<16xi32>
      %mul3A_314 = arith.mulf %sub3A_310, %sub3A_310 : vector<16xf32>
      %bitcast3A_315 = vector.bitcast %abs3A_311 : vector<16xf32> to vector<16xi32>
      %shift_right_arithmetic3A_316 = arith.constant 16 : i32
      %shift_right_arithmetic3A_317 = vector.broadcast %shift_right_arithmetic3A_316 : i32 to vector<16xi32>
      %shift_right_arithmetic3A_318 = arith.shrsi %bitcast3A_315, %shift_right_arithmetic3A_317 : vector<16xi32>
      %and3A_319 = arith.andi %shift_right_arithmetic3A_318, %broadcast_in_dim3A_40 : vector<16xi32>
      %add3A_320 = arith.addi %bitcast3A_315, %and3A_319 : vector<16xi32>
      %add3A_321 = arith.addi %add3A_320, %broadcast_in_dim3A_36 : vector<16xi32>
      %and3A_322 = arith.andi %add3A_321, %broadcast_in_dim3A_38 : vector<16xi32>
      %bitcast3A_323 = vector.bitcast %and3A_322 : vector<16xi32> to vector<16xf32>
      %mul3A_324 = arith.mulf %bitcast3A_323, %bitcast3A_50 : vector<16xf32>
      %bitcast3A_325 = vector.bitcast %mul3A_314 : vector<16xf32> to vector<16xi32>
      %shift_right_arithmetic3A_326 = arith.constant 16 : i32
      %shift_right_arithmetic3A_327 = vector.broadcast %shift_right_arithmetic3A_326 : i32 to vector<16xi32>
      %shift_right_arithmetic3A_328 = arith.shrsi %bitcast3A_325, %shift_right_arithmetic3A_327 : vector<16xi32>
      %and3A_329 = arith.andi %shift_right_arithmetic3A_328, %broadcast_in_dim3A_40 : vector<16xi32>
      %add3A_330 = arith.addi %bitcast3A_325, %and3A_329 : vector<16xi32>
      %add3A_331 = arith.addi %add3A_330, %broadcast_in_dim3A_36 : vector<16xi32>
      %and3A_332 = arith.andi %add3A_331, %broadcast_in_dim3A_38 : vector<16xi32>
      %bitcast3A_333 = vector.bitcast %and3A_332 : vector<16xi32> to vector<16xf32>
      %mul3A_334 = arith.mulf %bitcast3A_333, %bitcast3A_63 : vector<16xf32>
      %add3A_335 = arith.addf %mul3A_324, %mul3A_334 : vector<16xf32>
      %mul3A_336 = arith.mulf %mul3A_314, %abs3A_311 : vector<16xf32>
      %bitcast3A_337 = vector.bitcast %mul3A_336 : vector<16xf32> to vector<16xi32>
      %shift_right_arithmetic3A_338 = arith.constant 16 : i32
      %shift_right_arithmetic3A_339 = vector.broadcast %shift_right_arithmetic3A_338 : i32 to vector<16xi32>
      %shift_right_arithmetic3A_340 = arith.shrsi %bitcast3A_337, %shift_right_arithmetic3A_339 : vector<16xi32>
      %and3A_341 = arith.andi %shift_right_arithmetic3A_340, %broadcast_in_dim3A_40 : vector<16xi32>
      %add3A_342 = arith.addi %bitcast3A_337, %and3A_341 : vector<16xi32>
      %add3A_343 = arith.addi %add3A_342, %broadcast_in_dim3A_36 : vector<16xi32>
      %and3A_344 = arith.andi %add3A_343, %broadcast_in_dim3A_38 : vector<16xi32>
      %bitcast3A_345 = vector.bitcast %and3A_344 : vector<16xi32> to vector<16xf32>
      %mul3A_346 = arith.mulf %bitcast3A_345, %bitcast3A_76 : vector<16xf32>
      %add3A_347 = arith.addf %add3A_335, %mul3A_346 : vector<16xf32>
      %mul3A_348 = arith.constant 0.00999999977 : f32
      %mul3A_349 = vector.broadcast %mul3A_348 : f32 to vector<16xf32>
      %mul3A_350 = arith.mulf %add3A_347, %mul3A_349 : vector<16xf32>
      %max3A_351 = arith.maximumf %add3A_347, %mul3A_350 : vector<16xf32>
      %get3A_352 = arith.constant 13 : i32
      %get3A_353 = arith.index_cast %get3A_352 : i32 to index
      %get3A_354 = arith.constant 0 : index
      %get3A_355 = tpu.vector_load %arg7[%get3A_353, %get3A_354] {strides = array<i32>} : memref<39x16xf32, #tpu.memory_space<vmem>>, vector<16xf32>,
      %mul3A_356 = arith.mulf %max3A_351, %get3A_355 : vector<16xf32>
      %bitcast3A_357 = vector.bitcast %mul3A_356 : vector<16xf32> to vector<16xi32>
      %xor3A_358 = arith.xori %bitcast3A_357, %and3A_313 : vector<16xi32>
      %bitcast3A_359 = vector.bitcast %xor3A_358 : vector<16xi32> to vector<16xf32>
      %sub3A_360 = arith.subf %sub3A_309, %bitcast3A_359 : vector<16xf32>
      %sub3A_361 = arith.subf %bitcast3A_98, %bitcast3A_162 : vector<16xf32>
      %abs3A_362 = math.absf %sub3A_361 : vector<16xf32>
      %bitcast3A_363 = vector.bitcast %sub3A_361 : vector<16xf32> to vector<16xi32>
      %and3A_364 = arith.andi %bitcast3A_363, %broadcast_in_dim3A_34 : vector<16xi32>
      %mul3A_365 = arith.mulf %sub3A_361, %sub3A_361 : vector<16xf32>
      %bitcast3A_366 = vector.bitcast %abs3A_362 : vector<16xf32> to vector<16xi32>
      %shift_right_arithmetic3A_367 = arith.constant 16 : i32
      %shift_right_arithmetic3A_368 = vector.broadcast %shift_right_arithmetic3A_367 : i32 to vector<16xi32>
      %shift_right_arithmetic3A_369 = arith.shrsi %bitcast3A_366, %shift_right_arithmetic3A_368 : vector<16xi32>
      %and3A_370 = arith.andi %shift_right_arithmetic3A_369, %broadcast_in_dim3A_40 : vector<16xi32>
      %add3A_371 = arith.addi %bitcast3A_366, %and3A_370 : vector<16xi32>
      %add3A_372 = arith.addi %add3A_371, %broadcast_in_dim3A_36 : vector<16xi32>
      %and3A_373 = arith.andi %add3A_372, %broadcast_in_dim3A_38 : vector<16xi32>
      %bitcast3A_374 = vector.bitcast %and3A_373 : vector<16xi32> to vector<16xf32>
      %mul3A_375 = arith.mulf %bitcast3A_374, %bitcast3A_50 : vector<16xf32>
      %bitcast3A_376 = vector.bitcast %mul3A_365 : vector<16xf32> to vector<16xi32>
      %shift_right_arithmetic3A_377 = arith.constant 16 : i32
      %shift_right_arithmetic3A_378 = vector.broadcast %shift_right_arithmetic3A_377 : i32 to vector<16xi32>
      %shift_right_arithmetic3A_379 = arith.shrsi %bitcast3A_376, %shift_right_arithmetic3A_378 : vector<16xi32>
      %and3A_380 = arith.andi %shift_right_arithmetic3A_379, %broadcast_in_dim3A_40 : vector<16xi32>
      %add3A_381 = arith.addi %bitcast3A_376, %and3A_380 : vector<16xi32>
      %add3A_382 = arith.addi %add3A_381, %broadcast_in_dim3A_36 : vector<16xi32>
      %and3A_383 = arith.andi %add3A_382, %broadcast_in_dim3A_38 : vector<16xi32>
      %bitcast3A_384 = vector.bitcast %and3A_383 : vector<16xi32> to vector<16xf32>
      %mul3A_385 = arith.mulf %bitcast3A_384, %bitcast3A_63 : vector<16xf32>
      %add3A_386 = arith.addf %mul3A_375, %mul3A_385 : vector<16xf32>
      %mul3A_387 = arith.mulf %mul3A_365, %abs3A_362 : vector<16xf32>
      %bitcast3A_388 = vector.bitcast %mul3A_387 : vector<16xf32> to vector<16xi32>
      %shift_right_arithmetic3A_389 = arith.constant 16 : i32
      %shift_right_arithmetic3A_390 = vector.broadcast %shift_right_arithmetic3A_389 : i32 to vector<16xi32>
      %shift_right_arithmetic3A_391 = arith.shrsi %bitcast3A_388, %shift_right_arithmetic3A_390 : vector<16xi32>
      %and3A_392 = arith.andi %shift_right_arithmetic3A_391, %broadcast_in_dim3A_40 : vector<16xi32>
      %add3A_393 = arith.addi %bitcast3A_388, %and3A_392 : vector<16xi32>
      %add3A_394 = arith.addi %add3A_393, %broadcast_in_dim3A_36 : vector<16xi32>
      %and3A_395 = arith.andi %add3A_394, %broadcast_in_dim3A_38 : vector<16xi32>
      %bitcast3A_396 = vector.bitcast %and3A_395 : vector<16xi32> to vector<16xf32>
      %mul3A_397 = arith.mulf %bitcast3A_396, %bitcast3A_76 : vector<16xf32>
      %add3A_398 = arith.addf %add3A_386, %mul3A_397 : vector<16xf32>
      %mul3A_399 = arith.constant 0.00999999977 : f32
      %mul3A_400 = vector.broadcast %mul3A_399 : f32 to vector<16xf32>
      %mul3A_401 = arith.mulf %add3A_398, %mul3A_400 : vector<16xf32>
      %max3A_402 = arith.maximumf %add3A_398, %mul3A_401 : vector<16xf32>
      %get3A_403 = arith.constant 14 : i32
      %get3A_404 = arith.index_cast %get3A_403 : i32 to index
      %get3A_405 = arith.constant 0 : index
      %get3A_406 = tpu.vector_load %arg7[%get3A_404, %get3A_405] {strides = array<i32>} : memref<39x16xf32, #tpu.memory_space<vmem>>, vector<16xf32>,
      %mul3A_407 = arith.mulf %max3A_402, %get3A_406 : vector<16xf32>
      %bitcast3A_408 = vector.bitcast %mul3A_407 : vector<16xf32> to vector<16xi32>
      %xor3A_409 = arith.xori %bitcast3A_408, %and3A_364 : vector<16xi32>
      %bitcast3A_410 = vector.bitcast %xor3A_409 : vector<16xi32> to vector<16xf32>
      %sub3A_411 = arith.subf %sub3A_360, %bitcast3A_410 : vector<16xf32>
      %sub3A_412 = arith.subf %bitcast3A_98, %bitcast3A_178 : vector<16xf32>
      %abs3A_413 = math.absf %sub3A_412 : vector<16xf32>
      %bitcast3A_414 = vector.bitcast %sub3A_412 : vector<16xf32> to vector<16xi32>
      %and3A_415 = arith.andi %bitcast3A_414, %broadcast_in_dim3A_34 : vector<16xi32>
      %mul3A_416 = arith.mulf %sub3A_412, %sub3A_412 : vector<16xf32>
      %bitcast3A_417 = vector.bitcast %abs3A_413 : vector<16xf32> to vector<16xi32>
      %shift_right_arithmetic3A_418 = arith.constant 16 : i32
      %shift_right_arithmetic3A_419 = vector.broadcast %shift_right_arithmetic3A_418 : i32 to vector<16xi32>
      %shift_right_arithmetic3A_420 = arith.shrsi %bitcast3A_417, %shift_right_arithmetic3A_419 : vector<16xi32>
      %and3A_421 = arith.andi %shift_right_arithmetic3A_420, %broadcast_in_dim3A_40 : vector<16xi32>
      %add3A_422 = arith.addi %bitcast3A_417, %and3A_421 : vector<16xi32>
      %add3A_423 = arith.addi %add3A_422, %broadcast_in_dim3A_36 : vector<16xi32>
      %and3A_424 = arith.andi %add3A_423, %broadcast_in_dim3A_38 : vector<16xi32>
      %bitcast3A_425 = vector.bitcast %and3A_424 : vector<16xi32> to vector<16xf32>
      %mul3A_426 = arith.mulf %bitcast3A_425, %bitcast3A_50 : vector<16xf32>
      %bitcast3A_427 = vector.bitcast %mul3A_416 : vector<16xf32> to vector<16xi32>
      %shift_right_arithmetic3A_428 = arith.constant 16 : i32
      %shift_right_arithmetic3A_429 = vector.broadcast %shift_right_arithmetic3A_428 : i32 to vector<16xi32>
      %shift_right_arithmetic3A_430 = arith.shrsi %bitcast3A_427, %shift_right_arithmetic3A_429 : vector<16xi32>
      %and3A_431 = arith.andi %shift_right_arithmetic3A_430, %broadcast_in_dim3A_40 : vector<16xi32>
      %add3A_432 = arith.addi %bitcast3A_427, %and3A_431 : vector<16xi32>
      %add3A_433 = arith.addi %add3A_432, %broadcast_in_dim3A_36 : vector<16xi32>
      %and3A_434 = arith.andi %add3A_433, %broadcast_in_dim3A_38 : vector<16xi32>
      %bitcast3A_435 = vector.bitcast %and3A_434 : vector<16xi32> to vector<16xf32>
      %mul3A_436 = arith.mulf %bitcast3A_435, %bitcast3A_63 : vector<16xf32>
      %add3A_437 = arith.addf %mul3A_426, %mul3A_436 : vector<16xf32>
      %mul3A_438 = arith.mulf %mul3A_416, %abs3A_413 : vector<16xf32>
      %bitcast3A_439 = vector.bitcast %mul3A_438 : vector<16xf32> to vector<16xi32>
      %shift_right_arithmetic3A_440 = arith.constant 16 : i32
      %shift_right_arithmetic3A_441 = vector.broadcast %shift_right_arithmetic3A_440 : i32 to vector<16xi32>
      %shift_right_arithmetic3A_442 = arith.shrsi %bitcast3A_439, %shift_right_arithmetic3A_441 : vector<16xi32>
      %and3A_443 = arith.andi %shift_right_arithmetic3A_442, %broadcast_in_dim3A_40 : vector<16xi32>
      %add3A_444 = arith.addi %bitcast3A_439, %and3A_443 : vector<16xi32>
      %add3A_445 = arith.addi %add3A_444, %broadcast_in_dim3A_36 : vector<16xi32>
      %and3A_446 = arith.andi %add3A_445, %broadcast_in_dim3A_38 : vector<16xi32>
      %bitcast3A_447 = vector.bitcast %and3A_446 : vector<16xi32> to vector<16xf32>
      %mul3A_448 = arith.mulf %bitcast3A_447, %bitcast3A_76 : vector<16xf32>
      %add3A_449 = arith.addf %add3A_437, %mul3A_448 : vector<16xf32>
      %mul3A_450 = arith.constant 0.00999999977 : f32
      %mul3A_451 = vector.broadcast %mul3A_450 : f32 to vector<16xf32>
      %mul3A_452 = arith.mulf %add3A_449, %mul3A_451 : vector<16xf32>
      %max3A_453 = arith.maximumf %add3A_449, %mul3A_452 : vector<16xf32>
      %get3A_454 = arith.constant 15 : i32
      %get3A_455 = arith.index_cast %get3A_454 : i32 to index
      %get3A_456 = arith.constant 0 : index
      %get3A_457 = tpu.vector_load %arg7[%get3A_455, %get3A_456] {strides = array<i32>} : memref<39x16xf32, #tpu.memory_space<vmem>>, vector<16xf32>,
      %mul3A_458 = arith.mulf %max3A_453, %get3A_457 : vector<16xf32>
      %bitcast3A_459 = vector.bitcast %mul3A_458 : vector<16xf32> to vector<16xi32>
      %xor3A_460 = arith.xori %bitcast3A_459, %and3A_415 : vector<16xi32>
      %bitcast3A_461 = vector.bitcast %xor3A_460 : vector<16xi32> to vector<16xf32>
      %sub3A_462 = arith.subf %sub3A_411, %bitcast3A_461 : vector<16xf32>
      %sub3A_463 = arith.subf %bitcast3A_98, %bitcast3A_194 : vector<16xf32>
      %abs3A_464 = math.absf %sub3A_463 : vector<16xf32>
      %bitcast3A_465 = vector.bitcast %sub3A_463 : vector<16xf32> to vector<16xi32>
      %and3A_466 = arith.andi %bitcast3A_465, %broadcast_in_dim3A_34 : vector<16xi32>
      %mul3A_467 = arith.mulf %sub3A_463, %sub3A_463 : vector<16xf32>
      %bitcast3A_468 = vector.bitcast %abs3A_464 : vector<16xf32> to vector<16xi32>
      %shift_right_arithmetic3A_469 = arith.constant 16 : i32
      %shift_right_arithmetic3A_470 = vector.broadcast %shift_right_arithmetic3A_469 : i32 to vector<16xi32>
      %shift_right_arithmetic3A_471 = arith.shrsi %bitcast3A_468, %shift_right_arithmetic3A_470 : vector<16xi32>
      %and3A_472 = arith.andi %shift_right_arithmetic3A_471, %broadcast_in_dim3A_40 : vector<16xi32>
      %add3A_473 = arith.addi %bitcast3A_468, %and3A_472 : vector<16xi32>
      %add3A_474 = arith.addi %add3A_473, %broadcast_in_dim3A_36 : vector<16xi32>
      %and3A_475 = arith.andi %add3A_474, %broadcast_in_dim3A_38 : vector<16xi32>
      %bitcast3A_476 = vector.bitcast %and3A_475 : vector<16xi32> to vector<16xf32>
      %mul3A_477 = arith.mulf %bitcast3A_476, %bitcast3A_50 : vector<16xf32>
      %bitcast3A_478 = vector.bitcast %mul3A_467 : vector<16xf32> to vector<16xi32>
      %shift_right_arithmetic3A_479 = arith.constant 16 : i32
      %shift_right_arithmetic3A_480 = vector.broadcast %shift_right_arithmetic3A_479 : i32 to vector<16xi32>
      %shift_right_arithmetic3A_481 = arith.shrsi %bitcast3A_478, %shift_right_arithmetic3A_480 : vector<16xi32>
      %and3A_482 = arith.andi %shift_right_arithmetic3A_481, %broadcast_in_dim3A_40 : vector<16xi32>
      %add3A_483 = arith.addi %bitcast3A_478, %and3A_482 : vector<16xi32>
      %add3A_484 = arith.addi %add3A_483, %broadcast_in_dim3A_36 : vector<16xi32>
      %and3A_485 = arith.andi %add3A_484, %broadcast_in_dim3A_38 : vector<16xi32>
      %bitcast3A_486 = vector.bitcast %and3A_485 : vector<16xi32> to vector<16xf32>
      %mul3A_487 = arith.mulf %bitcast3A_486, %bitcast3A_63 : vector<16xf32>
      %add3A_488 = arith.addf %mul3A_477, %mul3A_487 : vector<16xf32>
      %mul3A_489 = arith.mulf %mul3A_467, %abs3A_464 : vector<16xf32>
      %bitcast3A_490 = vector.bitcast %mul3A_489 : vector<16xf32> to vector<16xi32>
      %shift_right_arithmetic3A_491 = arith.constant 16 : i32
      %shift_right_arithmetic3A_492 = vector.broadcast %shift_right_arithmetic3A_491 : i32 to vector<16xi32>
      %shift_right_arithmetic3A_493 = arith.shrsi %bitcast3A_490, %shift_right_arithmetic3A_492 : vector<16xi32>
      %and3A_494 = arith.andi %shift_right_arithmetic3A_493, %broadcast_in_dim3A_40 : vector<16xi32>
      %add3A_495 = arith.addi %bitcast3A_490, %and3A_494 : vector<16xi32>
      %add3A_496 = arith.addi %add3A_495, %broadcast_in_dim3A_36 : vector<16xi32>
      %and3A_497 = arith.andi %add3A_496, %broadcast_in_dim3A_38 : vector<16xi32>
      %bitcast3A_498 = vector.bitcast %and3A_497 : vector<16xi32> to vector<16xf32>
      %mul3A_499 = arith.mulf %bitcast3A_498, %bitcast3A_76 : vector<16xf32>
      %add3A_500 = arith.addf %add3A_488, %mul3A_499 : vector<16xf32>
      %mul3A_501 = arith.constant 0.00999999977 : f32
      %mul3A_502 = vector.broadcast %mul3A_501 : f32 to vector<16xf32>
      %mul3A_503 = arith.mulf %add3A_500, %mul3A_502 : vector<16xf32>
      %max3A_504 = arith.maximumf %add3A_500, %mul3A_503 : vector<16xf32>
      %get3A_505 = arith.constant 16 : i32
      %get3A_506 = arith.index_cast %get3A_505 : i32 to index
      %get3A_507 = arith.constant 0 : index
      %get3A_508 = tpu.vector_load %arg7[%get3A_506, %get3A_507] {strides = array<i32>} : memref<39x16xf32, #tpu.memory_space<vmem>>, vector<16xf32>,
      %mul3A_509 = arith.mulf %max3A_504, %get3A_508 : vector<16xf32>
      %bitcast3A_510 = vector.bitcast %mul3A_509 : vector<16xf32> to vector<16xi32>
      %xor3A_511 = arith.xori %bitcast3A_510, %and3A_466 : vector<16xi32>
      %bitcast3A_512 = vector.bitcast %xor3A_511 : vector<16xi32> to vector<16xf32>
      %sub3A_513 = arith.subf %sub3A_462, %bitcast3A_512 : vector<16xf32>
      %sub3A_514 = arith.subf %bitcast3A_98, %bitcast3A_210 : vector<16xf32>
      %abs3A_515 = math.absf %sub3A_514 : vector<16xf32>
      %bitcast3A_516 = vector.bitcast %sub3A_514 : vector<16xf32> to vector<16xi32>
      %and3A_517 = arith.andi %bitcast3A_516, %broadcast_in_dim3A_34 : vector<16xi32>
      %mul3A_518 = arith.mulf %sub3A_514, %sub3A_514 : vector<16xf32>
      %bitcast3A_519 = vector.bitcast %abs3A_515 : vector<16xf32> to vector<16xi32>
      %shift_right_arithmetic3A_520 = arith.constant 16 : i32
      %shift_right_arithmetic3A_521 = vector.broadcast %shift_right_arithmetic3A_520 : i32 to vector<16xi32>
      %shift_right_arithmetic3A_522 = arith.shrsi %bitcast3A_519, %shift_right_arithmetic3A_521 : vector<16xi32>
      %and3A_523 = arith.andi %shift_right_arithmetic3A_522, %broadcast_in_dim3A_40 : vector<16xi32>
      %add3A_524 = arith.addi %bitcast3A_519, %and3A_523 : vector<16xi32>
      %add3A_525 = arith.addi %add3A_524, %broadcast_in_dim3A_36 : vector<16xi32>
      %and3A_526 = arith.andi %add3A_525, %broadcast_in_dim3A_38 : vector<16xi32>
      %bitcast3A_527 = vector.bitcast %and3A_526 : vector<16xi32> to vector<16xf32>
      %mul3A_528 = arith.mulf %bitcast3A_527, %bitcast3A_50 : vector<16xf32>
      %bitcast3A_529 = vector.bitcast %mul3A_518 : vector<16xf32> to vector<16xi32>
      %shift_right_arithmetic3A_530 = arith.constant 16 : i32
      %shift_right_arithmetic3A_531 = vector.broadcast %shift_right_arithmetic3A_530 : i32 to vector<16xi32>
      %shift_right_arithmetic3A_532 = arith.shrsi %bitcast3A_529, %shift_right_arithmetic3A_531 : vector<16xi32>
      %and3A_533 = arith.andi %shift_right_arithmetic3A_532, %broadcast_in_dim3A_40 : vector<16xi32>
      %add3A_534 = arith.addi %bitcast3A_529, %and3A_533 : vector<16xi32>
      %add3A_535 = arith.addi %add3A_534, %broadcast_in_dim3A_36 : vector<16xi32>
      %and3A_536 = arith.andi %add3A_535, %broadcast_in_dim3A_38 : vector<16xi32>
      %bitcast3A_537 = vector.bitcast %and3A_536 : vector<16xi32> to vector<16xf32>
      %mul3A_538 = arith.mulf %bitcast3A_537, %bitcast3A_63 : vector<16xf32>
      %add3A_539 = arith.addf %mul3A_528, %mul3A_538 : vector<16xf32>
      %mul3A_540 = arith.mulf %mul3A_518, %abs3A_515 : vector<16xf32>
      %bitcast3A_541 = vector.bitcast %mul3A_540 : vector<16xf32> to vector<16xi32>
      %shift_right_arithmetic3A_542 = arith.constant 16 : i32
      %shift_right_arithmetic3A_543 = vector.broadcast %shift_right_arithmetic3A_542 : i32 to vector<16xi32>
      %shift_right_arithmetic3A_544 = arith.shrsi %bitcast3A_541, %shift_right_arithmetic3A_543 : vector<16xi32>
      %and3A_545 = arith.andi %shift_right_arithmetic3A_544, %broadcast_in_dim3A_40 : vector<16xi32>
      %add3A_546 = arith.addi %bitcast3A_541, %and3A_545 : vector<16xi32>
      %add3A_547 = arith.addi %add3A_546, %broadcast_in_dim3A_36 : vector<16xi32>
      %and3A_548 = arith.andi %add3A_547, %broadcast_in_dim3A_38 : vector<16xi32>
      %bitcast3A_549 = vector.bitcast %and3A_548 : vector<16xi32> to vector<16xf32>
      %mul3A_550 = arith.mulf %bitcast3A_549, %bitcast3A_76 : vector<16xf32>
      %add3A_551 = arith.addf %add3A_539, %mul3A_550 : vector<16xf32>
      %mul3A_552 = arith.constant 0.00999999977 : f32
      %mul3A_553 = vector.broadcast %mul3A_552 : f32 to vector<16xf32>
      %mul3A_554 = arith.mulf %add3A_551, %mul3A_553 : vector<16xf32>
      %max3A_555 = arith.maximumf %add3A_551, %mul3A_554 : vector<16xf32>
      %get3A_556 = arith.constant 17 : i32
      %get3A_557 = arith.index_cast %get3A_556 : i32 to index
      %get3A_558 = arith.constant 0 : index
      %get3A_559 = tpu.vector_load %arg7[%get3A_557, %get3A_558] {strides = array<i32>} : memref<39x16xf32, #tpu.memory_space<vmem>>, vector<16xf32>,
      %mul3A_560 = arith.mulf %max3A_555, %get3A_559 : vector<16xf32>
      %bitcast3A_561 = vector.bitcast %mul3A_560 : vector<16xf32> to vector<16xi32>
      %xor3A_562 = arith.xori %bitcast3A_561, %and3A_517 : vector<16xi32>
      %bitcast3A_563 = vector.bitcast %xor3A_562 : vector<16xi32> to vector<16xf32>
      %sub3A_564 = arith.subf %sub3A_513, %bitcast3A_563 : vector<16xf32>
      %sub3A_565 = arith.subf %bitcast3A_114, %bitcast3A_130 : vector<16xf32>
      %abs3A_566 = math.absf %sub3A_565 : vector<16xf32>
      %bitcast3A_567 = vector.bitcast %sub3A_565 : vector<16xf32> to vector<16xi32>
      %and3A_568 = arith.andi %bitcast3A_567, %broadcast_in_dim3A_34 : vector<16xi32>
      %mul3A_569 = arith.mulf %sub3A_565, %sub3A_565 : vector<16xf32>
      %bitcast3A_570 = vector.bitcast %abs3A_566 : vector<16xf32> to vector<16xi32>
      %shift_right_arithmetic3A_571 = arith.constant 16 : i32
      %shift_right_arithmetic3A_572 = vector.broadcast %shift_right_arithmetic3A_571 : i32 to vector<16xi32>
      %shift_right_arithmetic3A_573 = arith.shrsi %bitcast3A_570, %shift_right_arithmetic3A_572 : vector<16xi32>
      %and3A_574 = arith.andi %shift_right_arithmetic3A_573, %broadcast_in_dim3A_40 : vector<16xi32>
      %add3A_575 = arith.addi %bitcast3A_570, %and3A_574 : vector<16xi32>
      %add3A_576 = arith.addi %add3A_575, %broadcast_in_dim3A_36 : vector<16xi32>
      %and3A_577 = arith.andi %add3A_576, %broadcast_in_dim3A_38 : vector<16xi32>
      %bitcast3A_578 = vector.bitcast %and3A_577 : vector<16xi32> to vector<16xf32>
      %mul3A_579 = arith.mulf %bitcast3A_578, %bitcast3A_50 : vector<16xf32>
      %bitcast3A_580 = vector.bitcast %mul3A_569 : vector<16xf32> to vector<16xi32>
      %shift_right_arithmetic3A_581 = arith.constant 16 : i32
      %shift_right_arithmetic3A_582 = vector.broadcast %shift_right_arithmetic3A_581 : i32 to vector<16xi32>
      %shift_right_arithmetic3A_583 = arith.shrsi %bitcast3A_580, %shift_right_arithmetic3A_582 : vector<16xi32>
      %and3A_584 = arith.andi %shift_right_arithmetic3A_583, %broadcast_in_dim3A_40 : vector<16xi32>
      %add3A_585 = arith.addi %bitcast3A_580, %and3A_584 : vector<16xi32>
      %add3A_586 = arith.addi %add3A_585, %broadcast_in_dim3A_36 : vector<16xi32>
      %and3A_587 = arith.andi %add3A_586, %broadcast_in_dim3A_38 : vector<16xi32>
      %bitcast3A_588 = vector.bitcast %and3A_587 : vector<16xi32> to vector<16xf32>
      %mul3A_589 = arith.mulf %bitcast3A_588, %bitcast3A_63 : vector<16xf32>
      %add3A_590 = arith.addf %mul3A_579, %mul3A_589 : vector<16xf32>
      %mul3A_591 = arith.mulf %mul3A_569, %abs3A_566 : vector<16xf32>
      %bitcast3A_592 = vector.bitcast %mul3A_591 : vector<16xf32> to vector<16xi32>
      %shift_right_arithmetic3A_593 = arith.constant 16 : i32
      %shift_right_arithmetic3A_594 = vector.broadcast %shift_right_arithmetic3A_593 : i32 to vector<16xi32>
      %shift_right_arithmetic3A_595 = arith.shrsi %bitcast3A_592, %shift_right_arithmetic3A_594 : vector<16xi32>
      %and3A_596 = arith.andi %shift_right_arithmetic3A_595, %broadcast_in_dim3A_40 : vector<16xi32>
      %add3A_597 = arith.addi %bitcast3A_592, %and3A_596 : vector<16xi32>
      %add3A_598 = arith.addi %add3A_597, %broadcast_in_dim3A_36 : vector<16xi32>
      %and3A_599 = arith.andi %add3A_598, %broadcast_in_dim3A_38 : vector<16xi32>
      %bitcast3A_600 = vector.bitcast %and3A_599 : vector<16xi32> to vector<16xf32>
      %mul3A_601 = arith.mulf %bitcast3A_600, %bitcast3A_76 : vector<16xf32>
      %add3A_602 = arith.addf %add3A_590, %mul3A_601 : vector<16xf32>
      %mul3A_603 = arith.constant 0.00999999977 : f32
      %mul3A_604 = vector.broadcast %mul3A_603 : f32 to vector<16xf32>
      %mul3A_605 = arith.mulf %add3A_602, %mul3A_604 : vector<16xf32>
      %max3A_606 = arith.maximumf %add3A_602, %mul3A_605 : vector<16xf32>
      %get3A_607 = arith.constant 18 : i32
      %get3A_608 = arith.index_cast %get3A_607 : i32 to index
      %get3A_609 = arith.constant 0 : index
      %get3A_610 = tpu.vector_load %arg7[%get3A_608, %get3A_609] {strides = array<i32>} : memref<39x16xf32, #tpu.memory_space<vmem>>, vector<16xf32>,
      %mul3A_611 = arith.mulf %max3A_606, %get3A_610 : vector<16xf32>
      %bitcast3A_612 = vector.bitcast %mul3A_611 : vector<16xf32> to vector<16xi32>
      %xor3A_613 = arith.xori %bitcast3A_612, %and3A_568 : vector<16xi32>
      %bitcast3A_614 = vector.bitcast %xor3A_613 : vector<16xi32> to vector<16xf32>
      %sub3A_615 = arith.subf %bitcast3A_256, %bitcast3A_614 : vector<16xf32>
      %add3A_616 = arith.addf %bitcast3A_308, %bitcast3A_614 : vector<16xf32>
      %sub3A_617 = arith.subf %bitcast3A_114, %bitcast3A_146 : vector<16xf32>
      %abs3A_618 = math.absf %sub3A_617 : vector<16xf32>
      %bitcast3A_619 = vector.bitcast %sub3A_617 : vector<16xf32> to vector<16xi32>
      %and3A_620 = arith.andi %bitcast3A_619, %broadcast_in_dim3A_34 : vector<16xi32>
      %mul3A_621 = arith.mulf %sub3A_617, %sub3A_617 : vector<16xf32>
      %bitcast3A_622 = vector.bitcast %abs3A_618 : vector<16xf32> to vector<16xi32>
      %shift_right_arithmetic3A_623 = arith.constant 16 : i32
      %shift_right_arithmetic3A_624 = vector.broadcast %shift_right_arithmetic3A_623 : i32 to vector<16xi32>
      %shift_right_arithmetic3A_625 = arith.shrsi %bitcast3A_622, %shift_right_arithmetic3A_624 : vector<16xi32>
      %and3A_626 = arith.andi %shift_right_arithmetic3A_625, %broadcast_in_dim3A_40 : vector<16xi32>
      %add3A_627 = arith.addi %bitcast3A_622, %and3A_626 : vector<16xi32>
      %add3A_628 = arith.addi %add3A_627, %broadcast_in_dim3A_36 : vector<16xi32>
      %and3A_629 = arith.andi %add3A_628, %broadcast_in_dim3A_38 : vector<16xi32>
      %bitcast3A_630 = vector.bitcast %and3A_629 : vector<16xi32> to vector<16xf32>
      %mul3A_631 = arith.mulf %bitcast3A_630, %bitcast3A_50 : vector<16xf32>
      %bitcast3A_632 = vector.bitcast %mul3A_621 : vector<16xf32> to vector<16xi32>
      %shift_right_arithmetic3A_633 = arith.constant 16 : i32
      %shift_right_arithmetic3A_634 = vector.broadcast %shift_right_arithmetic3A_633 : i32 to vector<16xi32>
      %shift_right_arithmetic3A_635 = arith.shrsi %bitcast3A_632, %shift_right_arithmetic3A_634 : vector<16xi32>
      %and3A_636 = arith.andi %shift_right_arithmetic3A_635, %broadcast_in_dim3A_40 : vector<16xi32>
      %add3A_637 = arith.addi %bitcast3A_632, %and3A_636 : vector<16xi32>
      %add3A_638 = arith.addi %add3A_637, %broadcast_in_dim3A_36 : vector<16xi32>
      %and3A_639 = arith.andi %add3A_638, %broadcast_in_dim3A_38 : vector<16xi32>
      %bitcast3A_640 = vector.bitcast %and3A_639 : vector<16xi32> to vector<16xf32>
      %mul3A_641 = arith.mulf %bitcast3A_640, %bitcast3A_63 : vector<16xf32>
      %add3A_642 = arith.addf %mul3A_631, %mul3A_641 : vector<16xf32>
      %mul3A_643 = arith.mulf %mul3A_621, %abs3A_618 : vector<16xf32>
      %bitcast3A_644 = vector.bitcast %mul3A_643 : vector<16xf32> to vector<16xi32>
      %shift_right_arithmetic3A_645 = arith.constant 16 : i32
      %shift_right_arithmetic3A_646 = vector.broadcast %shift_right_arithmetic3A_645 : i32 to vector<16xi32>
      %shift_right_arithmetic3A_647 = arith.shrsi %bitcast3A_644, %shift_right_arithmetic3A_646 : vector<16xi32>
      %and3A_648 = arith.andi %shift_right_arithmetic3A_647, %broadcast_in_dim3A_40 : vector<16xi32>
      %add3A_649 = arith.addi %bitcast3A_644, %and3A_648 : vector<16xi32>
      %add3A_650 = arith.addi %add3A_649, %broadcast_in_dim3A_36 : vector<16xi32>
      %and3A_651 = arith.andi %add3A_650, %broadcast_in_dim3A_38 : vector<16xi32>
      %bitcast3A_652 = vector.bitcast %and3A_651 : vector<16xi32> to vector<16xf32>
      %mul3A_653 = arith.mulf %bitcast3A_652, %bitcast3A_76 : vector<16xf32>
      %add3A_654 = arith.addf %add3A_642, %mul3A_653 : vector<16xf32>
      %mul3A_655 = arith.constant 0.00999999977 : f32
      %mul3A_656 = vector.broadcast %mul3A_655 : f32 to vector<16xf32>
      %mul3A_657 = arith.mulf %add3A_654, %mul3A_656 : vector<16xf32>
      %max3A_658 = arith.maximumf %add3A_654, %mul3A_657 : vector<16xf32>
      %get3A_659 = arith.constant 19 : i32
      %get3A_660 = arith.index_cast %get3A_659 : i32 to index
      %get3A_661 = arith.constant 0 : index
      %get3A_662 = tpu.vector_load %arg7[%get3A_660, %get3A_661] {strides = array<i32>} : memref<39x16xf32, #tpu.memory_space<vmem>>, vector<16xf32>,
      %mul3A_663 = arith.mulf %max3A_658, %get3A_662 : vector<16xf32>
      %bitcast3A_664 = vector.bitcast %mul3A_663 : vector<16xf32> to vector<16xi32>
      %xor3A_665 = arith.xori %bitcast3A_664, %and3A_620 : vector<16xi32>
      %bitcast3A_666 = vector.bitcast %xor3A_665 : vector<16xi32> to vector<16xf32>
      %sub3A_667 = arith.subf %sub3A_615, %bitcast3A_666 : vector<16xf32>
      %add3A_668 = arith.addf %bitcast3A_359, %bitcast3A_666 : vector<16xf32>
      %sub3A_669 = arith.subf %bitcast3A_114, %bitcast3A_162 : vector<16xf32>
      %abs3A_670 = math.absf %sub3A_669 : vector<16xf32>
      %bitcast3A_671 = vector.bitcast %sub3A_669 : vector<16xf32> to vector<16xi32>
      %and3A_672 = arith.andi %bitcast3A_671, %broadcast_in_dim3A_34 : vector<16xi32>
      %mul3A_673 = arith.mulf %sub3A_669, %sub3A_669 : vector<16xf32>
      %bitcast3A_674 = vector.bitcast %abs3A_670 : vector<16xf32> to vector<16xi32>
      %shift_right_arithmetic3A_675 = arith.constant 16 : i32
      %shift_right_arithmetic3A_676 = vector.broadcast %shift_right_arithmetic3A_675 : i32 to vector<16xi32>
      %shift_right_arithmetic3A_677 = arith.shrsi %bitcast3A_674, %shift_right_arithmetic3A_676 : vector<16xi32>
      %and3A_678 = arith.andi %shift_right_arithmetic3A_677, %broadcast_in_dim3A_40 : vector<16xi32>
      %add3A_679 = arith.addi %bitcast3A_674, %and3A_678 : vector<16xi32>
      %add3A_680 = arith.addi %add3A_679, %broadcast_in_dim3A_36 : vector<16xi32>
      %and3A_681 = arith.andi %add3A_680, %broadcast_in_dim3A_38 : vector<16xi32>
      %bitcast3A_682 = vector.bitcast %and3A_681 : vector<16xi32> to vector<16xf32>
      %mul3A_683 = arith.mulf %bitcast3A_682, %bitcast3A_50 : vector<16xf32>
      %bitcast3A_684 = vector.bitcast %mul3A_673 : vector<16xf32> to vector<16xi32>
      %shift_right_arithmetic3A_685 = arith.constant 16 : i32
      %shift_right_arithmetic3A_686 = vector.broadcast %shift_right_arithmetic3A_685 : i32 to vector<16xi32>
      %shift_right_arithmetic3A_687 = arith.shrsi %bitcast3A_684, %shift_right_arithmetic3A_686 : vector<16xi32>
      %and3A_688 = arith.andi %shift_right_arithmetic3A_687, %broadcast_in_dim3A_40 : vector<16xi32>
      %add3A_689 = arith.addi %bitcast3A_684, %and3A_688 : vector<16xi32>
      %add3A_690 = arith.addi %add3A_689, %broadcast_in_dim3A_36 : vector<16xi32>
      %and3A_691 = arith.andi %add3A_690, %broadcast_in_dim3A_38 : vector<16xi32>
      %bitcast3A_692 = vector.bitcast %and3A_691 : vector<16xi32> to vector<16xf32>
      %mul3A_693 = arith.mulf %bitcast3A_692, %bitcast3A_63 : vector<16xf32>
      %add3A_694 = arith.addf %mul3A_683, %mul3A_693 : vector<16xf32>
      %mul3A_695 = arith.mulf %mul3A_673, %abs3A_670 : vector<16xf32>
      %bitcast3A_696 = vector.bitcast %mul3A_695 : vector<16xf32> to vector<16xi32>
      %shift_right_arithmetic3A_697 = arith.constant 16 : i32
      %shift_right_arithmetic3A_698 = vector.broadcast %shift_right_arithmetic3A_697 : i32 to vector<16xi32>
      %shift_right_arithmetic3A_699 = arith.shrsi %bitcast3A_696, %shift_right_arithmetic3A_698 : vector<16xi32>
      %and3A_700 = arith.andi %shift_right_arithmetic3A_699, %broadcast_in_dim3A_40 : vector<16xi32>
      %add3A_701 = arith.addi %bitcast3A_696, %and3A_700 : vector<16xi32>
      %add3A_702 = arith.addi %add3A_701, %broadcast_in_dim3A_36 : vector<16xi32>
      %and3A_703 = arith.andi %add3A_702, %broadcast_in_dim3A_38 : vector<16xi32>
      %bitcast3A_704 = vector.bitcast %and3A_703 : vector<16xi32> to vector<16xf32>
      %mul3A_705 = arith.mulf %bitcast3A_704, %bitcast3A_76 : vector<16xf32>
      %add3A_706 = arith.addf %add3A_694, %mul3A_705 : vector<16xf32>
      %mul3A_707 = arith.constant 0.00999999977 : f32
      %mul3A_708 = vector.broadcast %mul3A_707 : f32 to vector<16xf32>
      %mul3A_709 = arith.mulf %add3A_706, %mul3A_708 : vector<16xf32>
      %max3A_710 = arith.maximumf %add3A_706, %mul3A_709 : vector<16xf32>
      %get3A_711 = arith.constant 20 : i32
      %get3A_712 = arith.index_cast %get3A_711 : i32 to index
      %get3A_713 = arith.constant 0 : index
      %get3A_714 = tpu.vector_load %arg7[%get3A_712, %get3A_713] {strides = array<i32>} : memref<39x16xf32, #tpu.memory_space<vmem>>, vector<16xf32>,
      %mul3A_715 = arith.mulf %max3A_710, %get3A_714 : vector<16xf32>
      %bitcast3A_716 = vector.bitcast %mul3A_715 : vector<16xf32> to vector<16xi32>
      %xor3A_717 = arith.xori %bitcast3A_716, %and3A_672 : vector<16xi32>
      %bitcast3A_718 = vector.bitcast %xor3A_717 : vector<16xi32> to vector<16xf32>
      %sub3A_719 = arith.subf %sub3A_667, %bitcast3A_718 : vector<16xf32>
      %add3A_720 = arith.addf %bitcast3A_410, %bitcast3A_718 : vector<16xf32>
      %sub3A_721 = arith.subf %bitcast3A_114, %bitcast3A_178 : vector<16xf32>
      %abs3A_722 = math.absf %sub3A_721 : vector<16xf32>
      %bitcast3A_723 = vector.bitcast %sub3A_721 : vector<16xf32> to vector<16xi32>
      %and3A_724 = arith.andi %bitcast3A_723, %broadcast_in_dim3A_34 : vector<16xi32>
      %mul3A_725 = arith.mulf %sub3A_721, %sub3A_721 : vector<16xf32>
      %bitcast3A_726 = vector.bitcast %abs3A_722 : vector<16xf32> to vector<16xi32>
      %shift_right_arithmetic3A_727 = arith.constant 16 : i32
      %shift_right_arithmetic3A_728 = vector.broadcast %shift_right_arithmetic3A_727 : i32 to vector<16xi32>
      %shift_right_arithmetic3A_729 = arith.shrsi %bitcast3A_726, %shift_right_arithmetic3A_728 : vector<16xi32>
      %and3A_730 = arith.andi %shift_right_arithmetic3A_729, %broadcast_in_dim3A_40 : vector<16xi32>
      %add3A_731 = arith.addi %bitcast3A_726, %and3A_730 : vector<16xi32>
      %add3A_732 = arith.addi %add3A_731, %broadcast_in_dim3A_36 : vector<16xi32>
      %and3A_733 = arith.andi %add3A_732, %broadcast_in_dim3A_38 : vector<16xi32>
      %bitcast3A_734 = vector.bitcast %and3A_733 : vector<16xi32> to vector<16xf32>
      %mul3A_735 = arith.mulf %bitcast3A_734, %bitcast3A_50 : vector<16xf32>
      %bitcast3A_736 = vector.bitcast %mul3A_725 : vector<16xf32> to vector<16xi32>
      %shift_right_arithmetic3A_737 = arith.constant 16 : i32
      %shift_right_arithmetic3A_738 = vector.broadcast %shift_right_arithmetic3A_737 : i32 to vector<16xi32>
      %shift_right_arithmetic3A_739 = arith.shrsi %bitcast3A_736, %shift_right_arithmetic3A_738 : vector<16xi32>
      %and3A_740 = arith.andi %shift_right_arithmetic3A_739, %broadcast_in_dim3A_40 : vector<16xi32>
      %add3A_741 = arith.addi %bitcast3A_736, %and3A_740 : vector<16xi32>
      %add3A_742 = arith.addi %add3A_741, %broadcast_in_dim3A_36 : vector<16xi32>
      %and3A_743 = arith.andi %add3A_742, %broadcast_in_dim3A_38 : vector<16xi32>
      %bitcast3A_744 = vector.bitcast %and3A_743 : vector<16xi32> to vector<16xf32>
      %mul3A_745 = arith.mulf %bitcast3A_744, %bitcast3A_63 : vector<16xf32>
      %add3A_746 = arith.addf %mul3A_735, %mul3A_745 : vector<16xf32>
      %mul3A_747 = arith.mulf %mul3A_725, %abs3A_722 : vector<16xf32>
      %bitcast3A_748 = vector.bitcast %mul3A_747 : vector<16xf32> to vector<16xi32>
      %shift_right_arithmetic3A_749 = arith.constant 16 : i32
      %shift_right_arithmetic3A_750 = vector.broadcast %shift_right_arithmetic3A_749 : i32 to vector<16xi32>
      %shift_right_arithmetic3A_751 = arith.shrsi %bitcast3A_748, %shift_right_arithmetic3A_750 : vector<16xi32>
      %and3A_752 = arith.andi %shift_right_arithmetic3A_751, %broadcast_in_dim3A_40 : vector<16xi32>
      %add3A_753 = arith.addi %bitcast3A_748, %and3A_752 : vector<16xi32>
      %add3A_754 = arith.addi %add3A_753, %broadcast_in_dim3A_36 : vector<16xi32>
      %and3A_755 = arith.andi %add3A_754, %broadcast_in_dim3A_38 : vector<16xi32>
      %bitcast3A_756 = vector.bitcast %and3A_755 : vector<16xi32> to vector<16xf32>
      %mul3A_757 = arith.mulf %bitcast3A_756, %bitcast3A_76 : vector<16xf32>
      %add3A_758 = arith.addf %add3A_746, %mul3A_757 : vector<16xf32>
      %mul3A_759 = arith.constant 0.00999999977 : f32
      %mul3A_760 = vector.broadcast %mul3A_759 : f32 to vector<16xf32>
      %mul3A_761 = arith.mulf %add3A_758, %mul3A_760 : vector<16xf32>
      %max3A_762 = arith.maximumf %add3A_758, %mul3A_761 : vector<16xf32>
      %get3A_763 = arith.constant 21 : i32
      %get3A_764 = arith.index_cast %get3A_763 : i32 to index
      %get3A_765 = arith.constant 0 : index
      %get3A_766 = tpu.vector_load %arg7[%get3A_764, %get3A_765] {strides = array<i32>} : memref<39x16xf32, #tpu.memory_space<vmem>>, vector<16xf32>,
      %mul3A_767 = arith.mulf %max3A_762, %get3A_766 : vector<16xf32>
      %bitcast3A_768 = vector.bitcast %mul3A_767 : vector<16xf32> to vector<16xi32>
      %xor3A_769 = arith.xori %bitcast3A_768, %and3A_724 : vector<16xi32>
      %bitcast3A_770 = vector.bitcast %xor3A_769 : vector<16xi32> to vector<16xf32>
      %sub3A_771 = arith.subf %sub3A_719, %bitcast3A_770 : vector<16xf32>
      %add3A_772 = arith.addf %bitcast3A_461, %bitcast3A_770 : vector<16xf32>
      %sub3A_773 = arith.subf %bitcast3A_114, %bitcast3A_194 : vector<16xf32>
      %abs3A_774 = math.absf %sub3A_773 : vector<16xf32>
      %bitcast3A_775 = vector.bitcast %sub3A_773 : vector<16xf32> to vector<16xi32>
      %and3A_776 = arith.andi %bitcast3A_775, %broadcast_in_dim3A_34 : vector<16xi32>
      %mul3A_777 = arith.mulf %sub3A_773, %sub3A_773 : vector<16xf32>
      %bitcast3A_778 = vector.bitcast %abs3A_774 : vector<16xf32> to vector<16xi32>
      %shift_right_arithmetic3A_779 = arith.constant 16 : i32
      %shift_right_arithmetic3A_780 = vector.broadcast %shift_right_arithmetic3A_779 : i32 to vector<16xi32>
      %shift_right_arithmetic3A_781 = arith.shrsi %bitcast3A_778, %shift_right_arithmetic3A_780 : vector<16xi32>
      %and3A_782 = arith.andi %shift_right_arithmetic3A_781, %broadcast_in_dim3A_40 : vector<16xi32>
      %add3A_783 = arith.addi %bitcast3A_778, %and3A_782 : vector<16xi32>
      %add3A_784 = arith.addi %add3A_783, %broadcast_in_dim3A_36 : vector<16xi32>
      %and3A_785 = arith.andi %add3A_784, %broadcast_in_dim3A_38 : vector<16xi32>
      %bitcast3A_786 = vector.bitcast %and3A_785 : vector<16xi32> to vector<16xf32>
      %mul3A_787 = arith.mulf %bitcast3A_786, %bitcast3A_50 : vector<16xf32>
      %bitcast3A_788 = vector.bitcast %mul3A_777 : vector<16xf32> to vector<16xi32>
      %shift_right_arithmetic3A_789 = arith.constant 16 : i32
      %shift_right_arithmetic3A_790 = vector.broadcast %shift_right_arithmetic3A_789 : i32 to vector<16xi32>
      %shift_right_arithmetic3A_791 = arith.shrsi %bitcast3A_788, %shift_right_arithmetic3A_790 : vector<16xi32>
      %and3A_792 = arith.andi %shift_right_arithmetic3A_791, %broadcast_in_dim3A_40 : vector<16xi32>
      %add3A_793 = arith.addi %bitcast3A_788, %and3A_792 : vector<16xi32>
      %add3A_794 = arith.addi %add3A_793, %broadcast_in_dim3A_36 : vector<16xi32>
      %and3A_795 = arith.andi %add3A_794, %broadcast_in_dim3A_38 : vector<16xi32>
      %bitcast3A_796 = vector.bitcast %and3A_795 : vector<16xi32> to vector<16xf32>
      %mul3A_797 = arith.mulf %bitcast3A_796, %bitcast3A_63 : vector<16xf32>
      %add3A_798 = arith.addf %mul3A_787, %mul3A_797 : vector<16xf32>
      %mul3A_799 = arith.mulf %mul3A_777, %abs3A_774 : vector<16xf32>
      %bitcast3A_800 = vector.bitcast %mul3A_799 : vector<16xf32> to vector<16xi32>
      %shift_right_arithmetic3A_801 = arith.constant 16 : i32
      %shift_right_arithmetic3A_802 = vector.broadcast %shift_right_arithmetic3A_801 : i32 to vector<16xi32>
      %shift_right_arithmetic3A_803 = arith.shrsi %bitcast3A_800, %shift_right_arithmetic3A_802 : vector<16xi32>
      %and3A_804 = arith.andi %shift_right_arithmetic3A_803, %broadcast_in_dim3A_40 : vector<16xi32>
      %add3A_805 = arith.addi %bitcast3A_800, %and3A_804 : vector<16xi32>
      %add3A_806 = arith.addi %add3A_805, %broadcast_in_dim3A_36 : vector<16xi32>
      %and3A_807 = arith.andi %add3A_806, %broadcast_in_dim3A_38 : vector<16xi32>
      %bitcast3A_808 = vector.bitcast %and3A_807 : vector<16xi32> to vector<16xf32>
      %mul3A_809 = arith.mulf %bitcast3A_808, %bitcast3A_76 : vector<16xf32>
      %add3A_810 = arith.addf %add3A_798, %mul3A_809 : vector<16xf32>
      %mul3A_811 = arith.constant 0.00999999977 : f32
      %mul3A_812 = vector.broadcast %mul3A_811 : f32 to vector<16xf32>
      %mul3A_813 = arith.mulf %add3A_810, %mul3A_812 : vector<16xf32>
      %max3A_814 = arith.maximumf %add3A_810, %mul3A_813 : vector<16xf32>
      %get3A_815 = arith.constant 22 : i32
      %get3A_816 = arith.index_cast %get3A_815 : i32 to index
      %get3A_817 = arith.constant 0 : index
      %get3A_818 = tpu.vector_load %arg7[%get3A_816, %get3A_817] {strides = array<i32>} : memref<39x16xf32, #tpu.memory_space<vmem>>, vector<16xf32>,
      %mul3A_819 = arith.mulf %max3A_814, %get3A_818 : vector<16xf32>
      %bitcast3A_820 = vector.bitcast %mul3A_819 : vector<16xf32> to vector<16xi32>
      %xor3A_821 = arith.xori %bitcast3A_820, %and3A_776 : vector<16xi32>
      %bitcast3A_822 = vector.bitcast %xor3A_821 : vector<16xi32> to vector<16xf32>
      %sub3A_823 = arith.subf %sub3A_771, %bitcast3A_822 : vector<16xf32>
      %add3A_824 = arith.addf %bitcast3A_512, %bitcast3A_822 : vector<16xf32>
      %sub3A_825 = arith.subf %bitcast3A_114, %bitcast3A_210 : vector<16xf32>
      %abs3A_826 = math.absf %sub3A_825 : vector<16xf32>
      %bitcast3A_827 = vector.bitcast %sub3A_825 : vector<16xf32> to vector<16xi32>
      %and3A_828 = arith.andi %bitcast3A_827, %broadcast_in_dim3A_34 : vector<16xi32>
      %mul3A_829 = arith.mulf %sub3A_825, %sub3A_825 : vector<16xf32>
      %bitcast3A_830 = vector.bitcast %abs3A_826 : vector<16xf32> to vector<16xi32>
      %shift_right_arithmetic3A_831 = arith.constant 16 : i32
      %shift_right_arithmetic3A_832 = vector.broadcast %shift_right_arithmetic3A_831 : i32 to vector<16xi32>
      %shift_right_arithmetic3A_833 = arith.shrsi %bitcast3A_830, %shift_right_arithmetic3A_832 : vector<16xi32>
      %and3A_834 = arith.andi %shift_right_arithmetic3A_833, %broadcast_in_dim3A_40 : vector<16xi32>
      %add3A_835 = arith.addi %bitcast3A_830, %and3A_834 : vector<16xi32>
      %add3A_836 = arith.addi %add3A_835, %broadcast_in_dim3A_36 : vector<16xi32>
      %and3A_837 = arith.andi %add3A_836, %broadcast_in_dim3A_38 : vector<16xi32>
      %bitcast3A_838 = vector.bitcast %and3A_837 : vector<16xi32> to vector<16xf32>
      %mul3A_839 = arith.mulf %bitcast3A_838, %bitcast3A_50 : vector<16xf32>
      %bitcast3A_840 = vector.bitcast %mul3A_829 : vector<16xf32> to vector<16xi32>
      %shift_right_arithmetic3A_841 = arith.constant 16 : i32
      %shift_right_arithmetic3A_842 = vector.broadcast %shift_right_arithmetic3A_841 : i32 to vector<16xi32>
      %shift_right_arithmetic3A_843 = arith.shrsi %bitcast3A_840, %shift_right_arithmetic3A_842 : vector<16xi32>
      %and3A_844 = arith.andi %shift_right_arithmetic3A_843, %broadcast_in_dim3A_40 : vector<16xi32>
      %add3A_845 = arith.addi %bitcast3A_840, %and3A_844 : vector<16xi32>
      %add3A_846 = arith.addi %add3A_845, %broadcast_in_dim3A_36 : vector<16xi32>
      %and3A_847 = arith.andi %add3A_846, %broadcast_in_dim3A_38 : vector<16xi32>
      %bitcast3A_848 = vector.bitcast %and3A_847 : vector<16xi32> to vector<16xf32>
      %mul3A_849 = arith.mulf %bitcast3A_848, %bitcast3A_63 : vector<16xf32>
      %add3A_850 = arith.addf %mul3A_839, %mul3A_849 : vector<16xf32>
      %mul3A_851 = arith.mulf %mul3A_829, %abs3A_826 : vector<16xf32>
      %bitcast3A_852 = vector.bitcast %mul3A_851 : vector<16xf32> to vector<16xi32>
      %shift_right_arithmetic3A_853 = arith.constant 16 : i32
      %shift_right_arithmetic3A_854 = vector.broadcast %shift_right_arithmetic3A_853 : i32 to vector<16xi32>
      %shift_right_arithmetic3A_855 = arith.shrsi %bitcast3A_852, %shift_right_arithmetic3A_854 : vector<16xi32>
      %and3A_856 = arith.andi %shift_right_arithmetic3A_855, %broadcast_in_dim3A_40 : vector<16xi32>
      %add3A_857 = arith.addi %bitcast3A_852, %and3A_856 : vector<16xi32>
      %add3A_858 = arith.addi %add3A_857, %broadcast_in_dim3A_36 : vector<16xi32>
      %and3A_859 = arith.andi %add3A_858, %broadcast_in_dim3A_38 : vector<16xi32>
      %bitcast3A_860 = vector.bitcast %and3A_859 : vector<16xi32> to vector<16xf32>
      %mul3A_861 = arith.mulf %bitcast3A_860, %bitcast3A_76 : vector<16xf32>
      %add3A_862 = arith.addf %add3A_850, %mul3A_861 : vector<16xf32>
      %mul3A_863 = arith.constant 0.00999999977 : f32
      %mul3A_864 = vector.broadcast %mul3A_863 : f32 to vector<16xf32>
      %mul3A_865 = arith.mulf %add3A_862, %mul3A_864 : vector<16xf32>
      %max3A_866 = arith.maximumf %add3A_862, %mul3A_865 : vector<16xf32>
      %get3A_867 = arith.constant 23 : i32
      %get3A_868 = arith.index_cast %get3A_867 : i32 to index
      %get3A_869 = arith.constant 0 : index
      %get3A_870 = tpu.vector_load %arg7[%get3A_868, %get3A_869] {strides = array<i32>} : memref<39x16xf32, #tpu.memory_space<vmem>>, vector<16xf32>,
      %mul3A_871 = arith.mulf %max3A_866, %get3A_870 : vector<16xf32>
      %bitcast3A_872 = vector.bitcast %mul3A_871 : vector<16xf32> to vector<16xi32>
      %xor3A_873 = arith.xori %bitcast3A_872, %and3A_828 : vector<16xi32>
      %bitcast3A_874 = vector.bitcast %xor3A_873 : vector<16xi32> to vector<16xf32>
      %sub3A_875 = arith.subf %sub3A_823, %bitcast3A_874 : vector<16xf32>
      %add3A_876 = arith.addf %bitcast3A_563, %bitcast3A_874 : vector<16xf32>
      %sub3A_877 = arith.subf %bitcast3A_130, %bitcast3A_146 : vector<16xf32>
      %abs3A_878 = math.absf %sub3A_877 : vector<16xf32>
      %bitcast3A_879 = vector.bitcast %sub3A_877 : vector<16xf32> to vector<16xi32>
      %and3A_880 = arith.andi %bitcast3A_879, %broadcast_in_dim3A_34 : vector<16xi32>
      %mul3A_881 = arith.mulf %sub3A_877, %sub3A_877 : vector<16xf32>
      %bitcast3A_882 = vector.bitcast %abs3A_878 : vector<16xf32> to vector<16xi32>
      %shift_right_arithmetic3A_883 = arith.constant 16 : i32
      %shift_right_arithmetic3A_884 = vector.broadcast %shift_right_arithmetic3A_883 : i32 to vector<16xi32>
      %shift_right_arithmetic3A_885 = arith.shrsi %bitcast3A_882, %shift_right_arithmetic3A_884 : vector<16xi32>
      %and3A_886 = arith.andi %shift_right_arithmetic3A_885, %broadcast_in_dim3A_40 : vector<16xi32>
      %add3A_887 = arith.addi %bitcast3A_882, %and3A_886 : vector<16xi32>
      %add3A_888 = arith.addi %add3A_887, %broadcast_in_dim3A_36 : vector<16xi32>
      %and3A_889 = arith.andi %add3A_888, %broadcast_in_dim3A_38 : vector<16xi32>
      %bitcast3A_890 = vector.bitcast %and3A_889 : vector<16xi32> to vector<16xf32>
      %mul3A_891 = arith.mulf %bitcast3A_890, %bitcast3A_50 : vector<16xf32>
      %bitcast3A_892 = vector.bitcast %mul3A_881 : vector<16xf32> to vector<16xi32>
      %shift_right_arithmetic3A_893 = arith.constant 16 : i32
      %shift_right_arithmetic3A_894 = vector.broadcast %shift_right_arithmetic3A_893 : i32 to vector<16xi32>
      %shift_right_arithmetic3A_895 = arith.shrsi %bitcast3A_892, %shift_right_arithmetic3A_894 : vector<16xi32>
      %and3A_896 = arith.andi %shift_right_arithmetic3A_895, %broadcast_in_dim3A_40 : vector<16xi32>
      %add3A_897 = arith.addi %bitcast3A_892, %and3A_896 : vector<16xi32>
      %add3A_898 = arith.addi %add3A_897, %broadcast_in_dim3A_36 : vector<16xi32>
      %and3A_899 = arith.andi %add3A_898, %broadcast_in_dim3A_38 : vector<16xi32>
      %bitcast3A_900 = vector.bitcast %and3A_899 : vector<16xi32> to vector<16xf32>
      %mul3A_901 = arith.mulf %bitcast3A_900, %bitcast3A_63 : vector<16xf32>
      %add3A_902 = arith.addf %mul3A_891, %mul3A_901 : vector<16xf32>
      %mul3A_903 = arith.mulf %mul3A_881, %abs3A_878 : vector<16xf32>
      %bitcast3A_904 = vector.bitcast %mul3A_903 : vector<16xf32> to vector<16xi32>
      %shift_right_arithmetic3A_905 = arith.constant 16 : i32
      %shift_right_arithmetic3A_906 = vector.broadcast %shift_right_arithmetic3A_905 : i32 to vector<16xi32>
      %shift_right_arithmetic3A_907 = arith.shrsi %bitcast3A_904, %shift_right_arithmetic3A_906 : vector<16xi32>
      %and3A_908 = arith.andi %shift_right_arithmetic3A_907, %broadcast_in_dim3A_40 : vector<16xi32>
      %add3A_909 = arith.addi %bitcast3A_904, %and3A_908 : vector<16xi32>
      %add3A_910 = arith.addi %add3A_909, %broadcast_in_dim3A_36 : vector<16xi32>
      %and3A_911 = arith.andi %add3A_910, %broadcast_in_dim3A_38 : vector<16xi32>
      %bitcast3A_912 = vector.bitcast %and3A_911 : vector<16xi32> to vector<16xf32>
      %mul3A_913 = arith.mulf %bitcast3A_912, %bitcast3A_76 : vector<16xf32>
      %add3A_914 = arith.addf %add3A_902, %mul3A_913 : vector<16xf32>
      %mul3A_915 = arith.constant 0.00999999977 : f32
      %mul3A_916 = vector.broadcast %mul3A_915 : f32 to vector<16xf32>
      %mul3A_917 = arith.mulf %add3A_914, %mul3A_916 : vector<16xf32>
      %max3A_918 = arith.maximumf %add3A_914, %mul3A_917 : vector<16xf32>
      %get3A_919 = arith.constant 24 : i32
      %get3A_920 = arith.index_cast %get3A_919 : i32 to index
      %get3A_921 = arith.constant 0 : index
      %get3A_922 = tpu.vector_load %arg7[%get3A_920, %get3A_921] {strides = array<i32>} : memref<39x16xf32, #tpu.memory_space<vmem>>, vector<16xf32>,
      %mul3A_923 = arith.mulf %max3A_918, %get3A_922 : vector<16xf32>
      %bitcast3A_924 = vector.bitcast %mul3A_923 : vector<16xf32> to vector<16xi32>
      %xor3A_925 = arith.xori %bitcast3A_924, %and3A_880 : vector<16xi32>
      %bitcast3A_926 = vector.bitcast %xor3A_925 : vector<16xi32> to vector<16xf32>
      %sub3A_927 = arith.subf %add3A_616, %bitcast3A_926 : vector<16xf32>
      %add3A_928 = arith.addf %add3A_668, %bitcast3A_926 : vector<16xf32>
      %sub3A_929 = arith.subf %bitcast3A_130, %bitcast3A_162 : vector<16xf32>
      %abs3A_930 = math.absf %sub3A_929 : vector<16xf32>
      %bitcast3A_931 = vector.bitcast %sub3A_929 : vector<16xf32> to vector<16xi32>
      %and3A_932 = arith.andi %bitcast3A_931, %broadcast_in_dim3A_34 : vector<16xi32>
      %mul3A_933 = arith.mulf %sub3A_929, %sub3A_929 : vector<16xf32>
      %bitcast3A_934 = vector.bitcast %abs3A_930 : vector<16xf32> to vector<16xi32>
      %shift_right_arithmetic3A_935 = arith.constant 16 : i32
      %shift_right_arithmetic3A_936 = vector.broadcast %shift_right_arithmetic3A_935 : i32 to vector<16xi32>
      %shift_right_arithmetic3A_937 = arith.shrsi %bitcast3A_934, %shift_right_arithmetic3A_936 : vector<16xi32>
      %and3A_938 = arith.andi %shift_right_arithmetic3A_937, %broadcast_in_dim3A_40 : vector<16xi32>
      %add3A_939 = arith.addi %bitcast3A_934, %and3A_938 : vector<16xi32>
      %add3A_940 = arith.addi %add3A_939, %broadcast_in_dim3A_36 : vector<16xi32>
      %and3A_941 = arith.andi %add3A_940, %broadcast_in_dim3A_38 : vector<16xi32>
      %bitcast3A_942 = vector.bitcast %and3A_941 : vector<16xi32> to vector<16xf32>
      %mul3A_943 = arith.mulf %bitcast3A_942, %bitcast3A_50 : vector<16xf32>
      %bitcast3A_944 = vector.bitcast %mul3A_933 : vector<16xf32> to vector<16xi32>
      %shift_right_arithmetic3A_945 = arith.constant 16 : i32
      %shift_right_arithmetic3A_946 = vector.broadcast %shift_right_arithmetic3A_945 : i32 to vector<16xi32>
      %shift_right_arithmetic3A_947 = arith.shrsi %bitcast3A_944, %shift_right_arithmetic3A_946 : vector<16xi32>
      %and3A_948 = arith.andi %shift_right_arithmetic3A_947, %broadcast_in_dim3A_40 : vector<16xi32>
      %add3A_949 = arith.addi %bitcast3A_944, %and3A_948 : vector<16xi32>
      %add3A_950 = arith.addi %add3A_949, %broadcast_in_dim3A_36 : vector<16xi32>
      %and3A_951 = arith.andi %add3A_950, %broadcast_in_dim3A_38 : vector<16xi32>
      %bitcast3A_952 = vector.bitcast %and3A_951 : vector<16xi32> to vector<16xf32>
      %mul3A_953 = arith.mulf %bitcast3A_952, %bitcast3A_63 : vector<16xf32>
      %add3A_954 = arith.addf %mul3A_943, %mul3A_953 : vector<16xf32>
      %mul3A_955 = arith.mulf %mul3A_933, %abs3A_930 : vector<16xf32>
      %bitcast3A_956 = vector.bitcast %mul3A_955 : vector<16xf32> to vector<16xi32>
      %shift_right_arithmetic3A_957 = arith.constant 16 : i32
      %shift_right_arithmetic3A_958 = vector.broadcast %shift_right_arithmetic3A_957 : i32 to vector<16xi32>
      %shift_right_arithmetic3A_959 = arith.shrsi %bitcast3A_956, %shift_right_arithmetic3A_958 : vector<16xi32>
      %and3A_960 = arith.andi %shift_right_arithmetic3A_959, %broadcast_in_dim3A_40 : vector<16xi32>
      %add3A_961 = arith.addi %bitcast3A_956, %and3A_960 : vector<16xi32>
      %add3A_962 = arith.addi %add3A_961, %broadcast_in_dim3A_36 : vector<16xi32>
      %and3A_963 = arith.andi %add3A_962, %broadcast_in_dim3A_38 : vector<16xi32>
      %bitcast3A_964 = vector.bitcast %and3A_963 : vector<16xi32> to vector<16xf32>
      %mul3A_965 = arith.mulf %bitcast3A_964, %bitcast3A_76 : vector<16xf32>
      %add3A_966 = arith.addf %add3A_954, %mul3A_965 : vector<16xf32>
      %mul3A_967 = arith.constant 0.00999999977 : f32
      %mul3A_968 = vector.broadcast %mul3A_967 : f32 to vector<16xf32>
      %mul3A_969 = arith.mulf %add3A_966, %mul3A_968 : vector<16xf32>
      %max3A_970 = arith.maximumf %add3A_966, %mul3A_969 : vector<16xf32>
      %get3A_971 = arith.constant 25 : i32
      %get3A_972 = arith.index_cast %get3A_971 : i32 to index
      %get3A_973 = arith.constant 0 : index
      %get3A_974 = tpu.vector_load %arg7[%get3A_972, %get3A_973] {strides = array<i32>} : memref<39x16xf32, #tpu.memory_space<vmem>>, vector<16xf32>,
      %mul3A_975 = arith.mulf %max3A_970, %get3A_974 : vector<16xf32>
      %bitcast3A_976 = vector.bitcast %mul3A_975 : vector<16xf32> to vector<16xi32>
      %xor3A_977 = arith.xori %bitcast3A_976, %and3A_932 : vector<16xi32>
      %bitcast3A_978 = vector.bitcast %xor3A_977 : vector<16xi32> to vector<16xf32>
      %sub3A_979 = arith.subf %sub3A_927, %bitcast3A_978 : vector<16xf32>
      %add3A_980 = arith.addf %add3A_720, %bitcast3A_978 : vector<16xf32>
      %sub3A_981 = arith.subf %bitcast3A_130, %bitcast3A_178 : vector<16xf32>
      %abs3A_982 = math.absf %sub3A_981 : vector<16xf32>
      %bitcast3A_983 = vector.bitcast %sub3A_981 : vector<16xf32> to vector<16xi32>
      %and3A_984 = arith.andi %bitcast3A_983, %broadcast_in_dim3A_34 : vector<16xi32>
      %mul3A_985 = arith.mulf %sub3A_981, %sub3A_981 : vector<16xf32>
      %bitcast3A_986 = vector.bitcast %abs3A_982 : vector<16xf32> to vector<16xi32>
      %shift_right_arithmetic3A_987 = arith.constant 16 : i32
      %shift_right_arithmetic3A_988 = vector.broadcast %shift_right_arithmetic3A_987 : i32 to vector<16xi32>
      %shift_right_arithmetic3A_989 = arith.shrsi %bitcast3A_986, %shift_right_arithmetic3A_988 : vector<16xi32>
      %and3A_990 = arith.andi %shift_right_arithmetic3A_989, %broadcast_in_dim3A_40 : vector<16xi32>
      %add3A_991 = arith.addi %bitcast3A_986, %and3A_990 : vector<16xi32>
      %add3A_992 = arith.addi %add3A_991, %broadcast_in_dim3A_36 : vector<16xi32>
      %and3A_993 = arith.andi %add3A_992, %broadcast_in_dim3A_38 : vector<16xi32>
      %bitcast3A_994 = vector.bitcast %and3A_993 : vector<16xi32> to vector<16xf32>
      %mul3A_995 = arith.mulf %bitcast3A_994, %bitcast3A_50 : vector<16xf32>
      %bitcast3A_996 = vector.bitcast %mul3A_985 : vector<16xf32> to vector<16xi32>
      %shift_right_arithmetic3A_997 = arith.constant 16 : i32
      %shift_right_arithmetic3A_998 = vector.broadcast %shift_right_arithmetic3A_997 : i32 to vector<16xi32>
      %shift_right_arithmetic3A_999 = arith.shrsi %bitcast3A_996, %shift_right_arithmetic3A_998 : vector<16xi32>
      %and3A_1000 = arith.andi %shift_right_arithmetic3A_999, %broadcast_in_dim3A_40 : vector<16xi32>
      %add3A_1001 = arith.addi %bitcast3A_996, %and3A_1000 : vector<16xi32>
      %add3A_1002 = arith.addi %add3A_1001, %broadcast_in_dim3A_36 : vector<16xi32>
      %and3A_1003 = arith.andi %add3A_1002, %broadcast_in_dim3A_38 : vector<16xi32>
      %bitcast3A_1004 = vector.bitcast %and3A_1003 : vector<16xi32> to vector<16xf32>
      %mul3A_1005 = arith.mulf %bitcast3A_1004, %bitcast3A_63 : vector<16xf32>
      %add3A_1006 = arith.addf %mul3A_995, %mul3A_1005 : vector<16xf32>
      %mul3A_1007 = arith.mulf %mul3A_985, %abs3A_982 : vector<16xf32>
      %bitcast3A_1008 = vector.bitcast %mul3A_1007 : vector<16xf32> to vector<16xi32>
      %shift_right_arithmetic3A_1009 = arith.constant 16 : i32
      %shift_right_arithmetic3A_1010 = vector.broadcast %shift_right_arithmetic3A_1009 : i32 to vector<16xi32>
      %shift_right_arithmetic3A_1011 = arith.shrsi %bitcast3A_1008, %shift_right_arithmetic3A_1010 : vector<16xi32>
      %and3A_1012 = arith.andi %shift_right_arithmetic3A_1011, %broadcast_in_dim3A_40 : vector<16xi32>
      %add3A_1013 = arith.addi %bitcast3A_1008, %and3A_1012 : vector<16xi32>
      %add3A_1014 = arith.addi %add3A_1013, %broadcast_in_dim3A_36 : vector<16xi32>
      %and3A_1015 = arith.andi %add3A_1014, %broadcast_in_dim3A_38 : vector<16xi32>
      %bitcast3A_1016 = vector.bitcast %and3A_1015 : vector<16xi32> to vector<16xf32>
      %mul3A_1017 = arith.mulf %bitcast3A_1016, %bitcast3A_76 : vector<16xf32>
      %add3A_1018 = arith.addf %add3A_1006, %mul3A_1017 : vector<16xf32>
      %mul3A_1019 = arith.constant 0.00999999977 : f32
      %mul3A_1020 = vector.broadcast %mul3A_1019 : f32 to vector<16xf32>
      %mul3A_1021 = arith.mulf %add3A_1018, %mul3A_1020 : vector<16xf32>
      %max3A_1022 = arith.maximumf %add3A_1018, %mul3A_1021 : vector<16xf32>
      %get3A_1023 = arith.constant 26 : i32
      %get3A_1024 = arith.index_cast %get3A_1023 : i32 to index
      %get3A_1025 = arith.constant 0 : index
      %get3A_1026 = tpu.vector_load %arg7[%get3A_1024, %get3A_1025] {strides = array<i32>} : memref<39x16xf32, #tpu.memory_space<vmem>>, vector<16xf32>,
      %mul3A_1027 = arith.mulf %max3A_1022, %get3A_1026 : vector<16xf32>
      %bitcast3A_1028 = vector.bitcast %mul3A_1027 : vector<16xf32> to vector<16xi32>
      %xor3A_1029 = arith.xori %bitcast3A_1028, %and3A_984 : vector<16xi32>
      %bitcast3A_1030 = vector.bitcast %xor3A_1029 : vector<16xi32> to vector<16xf32>
      %sub3A_1031 = arith.subf %sub3A_979, %bitcast3A_1030 : vector<16xf32>
      %add3A_1032 = arith.addf %add3A_772, %bitcast3A_1030 : vector<16xf32>
      %sub3A_1033 = arith.subf %bitcast3A_130, %bitcast3A_194 : vector<16xf32>
      %abs3A_1034 = math.absf %sub3A_1033 : vector<16xf32>
      %bitcast3A_1035 = vector.bitcast %sub3A_1033 : vector<16xf32> to vector<16xi32>
      %and3A_1036 = arith.andi %bitcast3A_1035, %broadcast_in_dim3A_34 : vector<16xi32>
      %mul3A_1037 = arith.mulf %sub3A_1033, %sub3A_1033 : vector<16xf32>
      %bitcast3A_1038 = vector.bitcast %abs3A_1034 : vector<16xf32> to vector<16xi32>
      %shift_right_arithmetic3A_1039 = arith.constant 16 : i32
      %shift_right_arithmetic3A_1040 = vector.broadcast %shift_right_arithmetic3A_1039 : i32 to vector<16xi32>
      %shift_right_arithmetic3A_1041 = arith.shrsi %bitcast3A_1038, %shift_right_arithmetic3A_1040 : vector<16xi32>
      %and3A_1042 = arith.andi %shift_right_arithmetic3A_1041, %broadcast_in_dim3A_40 : vector<16xi32>
      %add3A_1043 = arith.addi %bitcast3A_1038, %and3A_1042 : vector<16xi32>
      %add3A_1044 = arith.addi %add3A_1043, %broadcast_in_dim3A_36 : vector<16xi32>
      %and3A_1045 = arith.andi %add3A_1044, %broadcast_in_dim3A_38 : vector<16xi32>
      %bitcast3A_1046 = vector.bitcast %and3A_1045 : vector<16xi32> to vector<16xf32>
      %mul3A_1047 = arith.mulf %bitcast3A_1046, %bitcast3A_50 : vector<16xf32>
      %bitcast3A_1048 = vector.bitcast %mul3A_1037 : vector<16xf32> to vector<16xi32>
      %shift_right_arithmetic3A_1049 = arith.constant 16 : i32
      %shift_right_arithmetic3A_1050 = vector.broadcast %shift_right_arithmetic3A_1049 : i32 to vector<16xi32>
      %shift_right_arithmetic3A_1051 = arith.shrsi %bitcast3A_1048, %shift_right_arithmetic3A_1050 : vector<16xi32>
      %and3A_1052 = arith.andi %shift_right_arithmetic3A_1051, %broadcast_in_dim3A_40 : vector<16xi32>
      %add3A_1053 = arith.addi %bitcast3A_1048, %and3A_1052 : vector<16xi32>
      %add3A_1054 = arith.addi %add3A_1053, %broadcast_in_dim3A_36 : vector<16xi32>
      %and3A_1055 = arith.andi %add3A_1054, %broadcast_in_dim3A_38 : vector<16xi32>
      %bitcast3A_1056 = vector.bitcast %and3A_1055 : vector<16xi32> to vector<16xf32>
      %mul3A_1057 = arith.mulf %bitcast3A_1056, %bitcast3A_63 : vector<16xf32>
      %add3A_1058 = arith.addf %mul3A_1047, %mul3A_1057 : vector<16xf32>
      %mul3A_1059 = arith.mulf %mul3A_1037, %abs3A_1034 : vector<16xf32>
      %bitcast3A_1060 = vector.bitcast %mul3A_1059 : vector<16xf32> to vector<16xi32>
      %shift_right_arithmetic3A_1061 = arith.constant 16 : i32
      %shift_right_arithmetic3A_1062 = vector.broadcast %shift_right_arithmetic3A_1061 : i32 to vector<16xi32>
      %shift_right_arithmetic3A_1063 = arith.shrsi %bitcast3A_1060, %shift_right_arithmetic3A_1062 : vector<16xi32>
      %and3A_1064 = arith.andi %shift_right_arithmetic3A_1063, %broadcast_in_dim3A_40 : vector<16xi32>
      %add3A_1065 = arith.addi %bitcast3A_1060, %and3A_1064 : vector<16xi32>
      %add3A_1066 = arith.addi %add3A_1065, %broadcast_in_dim3A_36 : vector<16xi32>
      %and3A_1067 = arith.andi %add3A_1066, %broadcast_in_dim3A_38 : vector<16xi32>
      %bitcast3A_1068 = vector.bitcast %and3A_1067 : vector<16xi32> to vector<16xf32>
      %mul3A_1069 = arith.mulf %bitcast3A_1068, %bitcast3A_76 : vector<16xf32>
      %add3A_1070 = arith.addf %add3A_1058, %mul3A_1069 : vector<16xf32>
      %mul3A_1071 = arith.constant 0.00999999977 : f32
      %mul3A_1072 = vector.broadcast %mul3A_1071 : f32 to vector<16xf32>
      %mul3A_1073 = arith.mulf %add3A_1070, %mul3A_1072 : vector<16xf32>
      %max3A_1074 = arith.maximumf %add3A_1070, %mul3A_1073 : vector<16xf32>
      %get3A_1075 = arith.constant 27 : i32
      %get3A_1076 = arith.index_cast %get3A_1075 : i32 to index
      %get3A_1077 = arith.constant 0 : index
      %get3A_1078 = tpu.vector_load %arg7[%get3A_1076, %get3A_1077] {strides = array<i32>} : memref<39x16xf32, #tpu.memory_space<vmem>>, vector<16xf32>,
      %mul3A_1079 = arith.mulf %max3A_1074, %get3A_1078 : vector<16xf32>
      %bitcast3A_1080 = vector.bitcast %mul3A_1079 : vector<16xf32> to vector<16xi32>
      %xor3A_1081 = arith.xori %bitcast3A_1080, %and3A_1036 : vector<16xi32>
      %bitcast3A_1082 = vector.bitcast %xor3A_1081 : vector<16xi32> to vector<16xf32>
      %sub3A_1083 = arith.subf %sub3A_1031, %bitcast3A_1082 : vector<16xf32>
      %add3A_1084 = arith.addf %add3A_824, %bitcast3A_1082 : vector<16xf32>
      %sub3A_1085 = arith.subf %bitcast3A_130, %bitcast3A_210 : vector<16xf32>
      %abs3A_1086 = math.absf %sub3A_1085 : vector<16xf32>
      %bitcast3A_1087 = vector.bitcast %sub3A_1085 : vector<16xf32> to vector<16xi32>
      %and3A_1088 = arith.andi %bitcast3A_1087, %broadcast_in_dim3A_34 : vector<16xi32>
      %mul3A_1089 = arith.mulf %sub3A_1085, %sub3A_1085 : vector<16xf32>
      %bitcast3A_1090 = vector.bitcast %abs3A_1086 : vector<16xf32> to vector<16xi32>
      %shift_right_arithmetic3A_1091 = arith.constant 16 : i32
      %shift_right_arithmetic3A_1092 = vector.broadcast %shift_right_arithmetic3A_1091 : i32 to vector<16xi32>
      %shift_right_arithmetic3A_1093 = arith.shrsi %bitcast3A_1090, %shift_right_arithmetic3A_1092 : vector<16xi32>
      %and3A_1094 = arith.andi %shift_right_arithmetic3A_1093, %broadcast_in_dim3A_40 : vector<16xi32>
      %add3A_1095 = arith.addi %bitcast3A_1090, %and3A_1094 : vector<16xi32>
      %add3A_1096 = arith.addi %add3A_1095, %broadcast_in_dim3A_36 : vector<16xi32>
      %and3A_1097 = arith.andi %add3A_1096, %broadcast_in_dim3A_38 : vector<16xi32>
      %bitcast3A_1098 = vector.bitcast %and3A_1097 : vector<16xi32> to vector<16xf32>
      %mul3A_1099 = arith.mulf %bitcast3A_1098, %bitcast3A_50 : vector<16xf32>
      %bitcast3A_1100 = vector.bitcast %mul3A_1089 : vector<16xf32> to vector<16xi32>
      %shift_right_arithmetic3A_1101 = arith.constant 16 : i32
      %shift_right_arithmetic3A_1102 = vector.broadcast %shift_right_arithmetic3A_1101 : i32 to vector<16xi32>
      %shift_right_arithmetic3A_1103 = arith.shrsi %bitcast3A_1100, %shift_right_arithmetic3A_1102 : vector<16xi32>
      %and3A_1104 = arith.andi %shift_right_arithmetic3A_1103, %broadcast_in_dim3A_40 : vector<16xi32>
      %add3A_1105 = arith.addi %bitcast3A_1100, %and3A_1104 : vector<16xi32>
      %add3A_1106 = arith.addi %add3A_1105, %broadcast_in_dim3A_36 : vector<16xi32>
      %and3A_1107 = arith.andi %add3A_1106, %broadcast_in_dim3A_38 : vector<16xi32>
      %bitcast3A_1108 = vector.bitcast %and3A_1107 : vector<16xi32> to vector<16xf32>
      %mul3A_1109 = arith.mulf %bitcast3A_1108, %bitcast3A_63 : vector<16xf32>
      %add3A_1110 = arith.addf %mul3A_1099, %mul3A_1109 : vector<16xf32>
      %mul3A_1111 = arith.mulf %mul3A_1089, %abs3A_1086 : vector<16xf32>
      %bitcast3A_1112 = vector.bitcast %mul3A_1111 : vector<16xf32> to vector<16xi32>
      %shift_right_arithmetic3A_1113 = arith.constant 16 : i32
      %shift_right_arithmetic3A_1114 = vector.broadcast %shift_right_arithmetic3A_1113 : i32 to vector<16xi32>
      %shift_right_arithmetic3A_1115 = arith.shrsi %bitcast3A_1112, %shift_right_arithmetic3A_1114 : vector<16xi32>
      %and3A_1116 = arith.andi %shift_right_arithmetic3A_1115, %broadcast_in_dim3A_40 : vector<16xi32>
      %add3A_1117 = arith.addi %bitcast3A_1112, %and3A_1116 : vector<16xi32>
      %add3A_1118 = arith.addi %add3A_1117, %broadcast_in_dim3A_36 : vector<16xi32>
      %and3A_1119 = arith.andi %add3A_1118, %broadcast_in_dim3A_38 : vector<16xi32>
      %bitcast3A_1120 = vector.bitcast %and3A_1119 : vector<16xi32> to vector<16xf32>
      %mul3A_1121 = arith.mulf %bitcast3A_1120, %bitcast3A_76 : vector<16xf32>
      %add3A_1122 = arith.addf %add3A_1110, %mul3A_1121 : vector<16xf32>
      %mul3A_1123 = arith.constant 0.00999999977 : f32
      %mul3A_1124 = vector.broadcast %mul3A_1123 : f32 to vector<16xf32>
      %mul3A_1125 = arith.mulf %add3A_1122, %mul3A_1124 : vector<16xf32>
      %max3A_1126 = arith.maximumf %add3A_1122, %mul3A_1125 : vector<16xf32>
      %get3A_1127 = arith.constant 28 : i32
      %get3A_1128 = arith.index_cast %get3A_1127 : i32 to index
      %get3A_1129 = arith.constant 0 : index
      %get3A_1130 = tpu.vector_load %arg7[%get3A_1128, %get3A_1129] {strides = array<i32>} : memref<39x16xf32, #tpu.memory_space<vmem>>, vector<16xf32>,
      %mul3A_1131 = arith.mulf %max3A_1126, %get3A_1130 : vector<16xf32>
      %bitcast3A_1132 = vector.bitcast %mul3A_1131 : vector<16xf32> to vector<16xi32>
      %xor3A_1133 = arith.xori %bitcast3A_1132, %and3A_1088 : vector<16xi32>
      %bitcast3A_1134 = vector.bitcast %xor3A_1133 : vector<16xi32> to vector<16xf32>
      %sub3A_1135 = arith.subf %sub3A_1083, %bitcast3A_1134 : vector<16xf32>
      %add3A_1136 = arith.addf %add3A_876, %bitcast3A_1134 : vector<16xf32>
      %sub3A_1137 = arith.subf %bitcast3A_146, %bitcast3A_162 : vector<16xf32>
      %abs3A_1138 = math.absf %sub3A_1137 : vector<16xf32>
      %bitcast3A_1139 = vector.bitcast %sub3A_1137 : vector<16xf32> to vector<16xi32>
      %and3A_1140 = arith.andi %bitcast3A_1139, %broadcast_in_dim3A_34 : vector<16xi32>
      %mul3A_1141 = arith.mulf %sub3A_1137, %sub3A_1137 : vector<16xf32>
      %bitcast3A_1142 = vector.bitcast %abs3A_1138 : vector<16xf32> to vector<16xi32>
      %shift_right_arithmetic3A_1143 = arith.constant 16 : i32
      %shift_right_arithmetic3A_1144 = vector.broadcast %shift_right_arithmetic3A_1143 : i32 to vector<16xi32>
      %shift_right_arithmetic3A_1145 = arith.shrsi %bitcast3A_1142, %shift_right_arithmetic3A_1144 : vector<16xi32>
      %and3A_1146 = arith.andi %shift_right_arithmetic3A_1145, %broadcast_in_dim3A_40 : vector<16xi32>
      %add3A_1147 = arith.addi %bitcast3A_1142, %and3A_1146 : vector<16xi32>
      %add3A_1148 = arith.addi %add3A_1147, %broadcast_in_dim3A_36 : vector<16xi32>
      %and3A_1149 = arith.andi %add3A_1148, %broadcast_in_dim3A_38 : vector<16xi32>
      %bitcast3A_1150 = vector.bitcast %and3A_1149 : vector<16xi32> to vector<16xf32>
      %mul3A_1151 = arith.mulf %bitcast3A_1150, %bitcast3A_50 : vector<16xf32>
      %bitcast3A_1152 = vector.bitcast %mul3A_1141 : vector<16xf32> to vector<16xi32>
      %shift_right_arithmetic3A_1153 = arith.constant 16 : i32
      %shift_right_arithmetic3A_1154 = vector.broadcast %shift_right_arithmetic3A_1153 : i32 to vector<16xi32>
      %shift_right_arithmetic3A_1155 = arith.shrsi %bitcast3A_1152, %shift_right_arithmetic3A_1154 : vector<16xi32>
      %and3A_1156 = arith.andi %shift_right_arithmetic3A_1155, %broadcast_in_dim3A_40 : vector<16xi32>
      %add3A_1157 = arith.addi %bitcast3A_1152, %and3A_1156 : vector<16xi32>
      %add3A_1158 = arith.addi %add3A_1157, %broadcast_in_dim3A_36 : vector<16xi32>
      %and3A_1159 = arith.andi %add3A_1158, %broadcast_in_dim3A_38 : vector<16xi32>
      %bitcast3A_1160 = vector.bitcast %and3A_1159 : vector<16xi32> to vector<16xf32>
      %mul3A_1161 = arith.mulf %bitcast3A_1160, %bitcast3A_63 : vector<16xf32>
      %add3A_1162 = arith.addf %mul3A_1151, %mul3A_1161 : vector<16xf32>
      %mul3A_1163 = arith.mulf %mul3A_1141, %abs3A_1138 : vector<16xf32>
      %bitcast3A_1164 = vector.bitcast %mul3A_1163 : vector<16xf32> to vector<16xi32>
      %shift_right_arithmetic3A_1165 = arith.constant 16 : i32
      %shift_right_arithmetic3A_1166 = vector.broadcast %shift_right_arithmetic3A_1165 : i32 to vector<16xi32>
      %shift_right_arithmetic3A_1167 = arith.shrsi %bitcast3A_1164, %shift_right_arithmetic3A_1166 : vector<16xi32>
      %and3A_1168 = arith.andi %shift_right_arithmetic3A_1167, %broadcast_in_dim3A_40 : vector<16xi32>
      %add3A_1169 = arith.addi %bitcast3A_1164, %and3A_1168 : vector<16xi32>
      %add3A_1170 = arith.addi %add3A_1169, %broadcast_in_dim3A_36 : vector<16xi32>
      %and3A_1171 = arith.andi %add3A_1170, %broadcast_in_dim3A_38 : vector<16xi32>
      %bitcast3A_1172 = vector.bitcast %and3A_1171 : vector<16xi32> to vector<16xf32>
      %mul3A_1173 = arith.mulf %bitcast3A_1172, %bitcast3A_76 : vector<16xf32>
      %add3A_1174 = arith.addf %add3A_1162, %mul3A_1173 : vector<16xf32>
      %mul3A_1175 = arith.constant 0.00999999977 : f32
      %mul3A_1176 = vector.broadcast %mul3A_1175 : f32 to vector<16xf32>
      %mul3A_1177 = arith.mulf %add3A_1174, %mul3A_1176 : vector<16xf32>
      %max3A_1178 = arith.maximumf %add3A_1174, %mul3A_1177 : vector<16xf32>
      %get3A_1179 = arith.constant 29 : i32
      %get3A_1180 = arith.index_cast %get3A_1179 : i32 to index
      %get3A_1181 = arith.constant 0 : index
      %get3A_1182 = tpu.vector_load %arg7[%get3A_1180, %get3A_1181] {strides = array<i32>} : memref<39x16xf32, #tpu.memory_space<vmem>>, vector<16xf32>,
      %mul3A_1183 = arith.mulf %max3A_1178, %get3A_1182 : vector<16xf32>
      %bitcast3A_1184 = vector.bitcast %mul3A_1183 : vector<16xf32> to vector<16xi32>
      %xor3A_1185 = arith.xori %bitcast3A_1184, %and3A_1140 : vector<16xi32>
      %bitcast3A_1186 = vector.bitcast %xor3A_1185 : vector<16xi32> to vector<16xf32>
      %sub3A_1187 = arith.subf %add3A_928, %bitcast3A_1186 : vector<16xf32>
      %add3A_1188 = arith.addf %add3A_980, %bitcast3A_1186 : vector<16xf32>
      %sub3A_1189 = arith.subf %bitcast3A_146, %bitcast3A_178 : vector<16xf32>
      %abs3A_1190 = math.absf %sub3A_1189 : vector<16xf32>
      %bitcast3A_1191 = vector.bitcast %sub3A_1189 : vector<16xf32> to vector<16xi32>
      %and3A_1192 = arith.andi %bitcast3A_1191, %broadcast_in_dim3A_34 : vector<16xi32>
      %mul3A_1193 = arith.mulf %sub3A_1189, %sub3A_1189 : vector<16xf32>
      %bitcast3A_1194 = vector.bitcast %abs3A_1190 : vector<16xf32> to vector<16xi32>
      %shift_right_arithmetic3A_1195 = arith.constant 16 : i32
      %shift_right_arithmetic3A_1196 = vector.broadcast %shift_right_arithmetic3A_1195 : i32 to vector<16xi32>
      %shift_right_arithmetic3A_1197 = arith.shrsi %bitcast3A_1194, %shift_right_arithmetic3A_1196 : vector<16xi32>
      %and3A_1198 = arith.andi %shift_right_arithmetic3A_1197, %broadcast_in_dim3A_40 : vector<16xi32>
      %add3A_1199 = arith.addi %bitcast3A_1194, %and3A_1198 : vector<16xi32>
      %add3A_1200 = arith.addi %add3A_1199, %broadcast_in_dim3A_36 : vector<16xi32>
      %and3A_1201 = arith.andi %add3A_1200, %broadcast_in_dim3A_38 : vector<16xi32>
      %bitcast3A_1202 = vector.bitcast %and3A_1201 : vector<16xi32> to vector<16xf32>
      %mul3A_1203 = arith.mulf %bitcast3A_1202, %bitcast3A_50 : vector<16xf32>
      %bitcast3A_1204 = vector.bitcast %mul3A_1193 : vector<16xf32> to vector<16xi32>
      %shift_right_arithmetic3A_1205 = arith.constant 16 : i32
      %shift_right_arithmetic3A_1206 = vector.broadcast %shift_right_arithmetic3A_1205 : i32 to vector<16xi32>
      %shift_right_arithmetic3A_1207 = arith.shrsi %bitcast3A_1204, %shift_right_arithmetic3A_1206 : vector<16xi32>
      %and3A_1208 = arith.andi %shift_right_arithmetic3A_1207, %broadcast_in_dim3A_40 : vector<16xi32>
      %add3A_1209 = arith.addi %bitcast3A_1204, %and3A_1208 : vector<16xi32>
      %add3A_1210 = arith.addi %add3A_1209, %broadcast_in_dim3A_36 : vector<16xi32>
      %and3A_1211 = arith.andi %add3A_1210, %broadcast_in_dim3A_38 : vector<16xi32>
      %bitcast3A_1212 = vector.bitcast %and3A_1211 : vector<16xi32> to vector<16xf32>
      %mul3A_1213 = arith.mulf %bitcast3A_1212, %bitcast3A_63 : vector<16xf32>
      %add3A_1214 = arith.addf %mul3A_1203, %mul3A_1213 : vector<16xf32>
      %mul3A_1215 = arith.mulf %mul3A_1193, %abs3A_1190 : vector<16xf32>
      %bitcast3A_1216 = vector.bitcast %mul3A_1215 : vector<16xf32> to vector<16xi32>
      %shift_right_arithmetic3A_1217 = arith.constant 16 : i32
      %shift_right_arithmetic3A_1218 = vector.broadcast %shift_right_arithmetic3A_1217 : i32 to vector<16xi32>
      %shift_right_arithmetic3A_1219 = arith.shrsi %bitcast3A_1216, %shift_right_arithmetic3A_1218 : vector<16xi32>
      %and3A_1220 = arith.andi %shift_right_arithmetic3A_1219, %broadcast_in_dim3A_40 : vector<16xi32>
      %add3A_1221 = arith.addi %bitcast3A_1216, %and3A_1220 : vector<16xi32>
      %add3A_1222 = arith.addi %add3A_1221, %broadcast_in_dim3A_36 : vector<16xi32>
      %and3A_1223 = arith.andi %add3A_1222, %broadcast_in_dim3A_38 : vector<16xi32>
      %bitcast3A_1224 = vector.bitcast %and3A_1223 : vector<16xi32> to vector<16xf32>
      %mul3A_1225 = arith.mulf %bitcast3A_1224, %bitcast3A_76 : vector<16xf32>
      %add3A_1226 = arith.addf %add3A_1214, %mul3A_1225 : vector<16xf32>
      %mul3A_1227 = arith.constant 0.00999999977 : f32
      %mul3A_1228 = vector.broadcast %mul3A_1227 : f32 to vector<16xf32>
      %mul3A_1229 = arith.mulf %add3A_1226, %mul3A_1228 : vector<16xf32>
      %max3A_1230 = arith.maximumf %add3A_1226, %mul3A_1229 : vector<16xf32>
      %get3A_1231 = arith.constant 30 : i32
      %get3A_1232 = arith.index_cast %get3A_1231 : i32 to index
      %get3A_1233 = arith.constant 0 : index
      %get3A_1234 = tpu.vector_load %arg7[%get3A_1232, %get3A_1233] {strides = array<i32>} : memref<39x16xf32, #tpu.memory_space<vmem>>, vector<16xf32>,
      %mul3A_1235 = arith.mulf %max3A_1230, %get3A_1234 : vector<16xf32>
      %bitcast3A_1236 = vector.bitcast %mul3A_1235 : vector<16xf32> to vector<16xi32>
      %xor3A_1237 = arith.xori %bitcast3A_1236, %and3A_1192 : vector<16xi32>
      %bitcast3A_1238 = vector.bitcast %xor3A_1237 : vector<16xi32> to vector<16xf32>
      %sub3A_1239 = arith.subf %sub3A_1187, %bitcast3A_1238 : vector<16xf32>
      %add3A_1240 = arith.addf %add3A_1032, %bitcast3A_1238 : vector<16xf32>
      %sub3A_1241 = arith.subf %bitcast3A_146, %bitcast3A_194 : vector<16xf32>
      %abs3A_1242 = math.absf %sub3A_1241 : vector<16xf32>
      %bitcast3A_1243 = vector.bitcast %sub3A_1241 : vector<16xf32> to vector<16xi32>
      %and3A_1244 = arith.andi %bitcast3A_1243, %broadcast_in_dim3A_34 : vector<16xi32>
      %mul3A_1245 = arith.mulf %sub3A_1241, %sub3A_1241 : vector<16xf32>
      %bitcast3A_1246 = vector.bitcast %abs3A_1242 : vector<16xf32> to vector<16xi32>
      %shift_right_arithmetic3A_1247 = arith.constant 16 : i32
      %shift_right_arithmetic3A_1248 = vector.broadcast %shift_right_arithmetic3A_1247 : i32 to vector<16xi32>
      %shift_right_arithmetic3A_1249 = arith.shrsi %bitcast3A_1246, %shift_right_arithmetic3A_1248 : vector<16xi32>
      %and3A_1250 = arith.andi %shift_right_arithmetic3A_1249, %broadcast_in_dim3A_40 : vector<16xi32>
      %add3A_1251 = arith.addi %bitcast3A_1246, %and3A_1250 : vector<16xi32>
      %add3A_1252 = arith.addi %add3A_1251, %broadcast_in_dim3A_36 : vector<16xi32>
      %and3A_1253 = arith.andi %add3A_1252, %broadcast_in_dim3A_38 : vector<16xi32>
      %bitcast3A_1254 = vector.bitcast %and3A_1253 : vector<16xi32> to vector<16xf32>
      %mul3A_1255 = arith.mulf %bitcast3A_1254, %bitcast3A_50 : vector<16xf32>
      %bitcast3A_1256 = vector.bitcast %mul3A_1245 : vector<16xf32> to vector<16xi32>
      %shift_right_arithmetic3A_1257 = arith.constant 16 : i32
      %shift_right_arithmetic3A_1258 = vector.broadcast %shift_right_arithmetic3A_1257 : i32 to vector<16xi32>
      %shift_right_arithmetic3A_1259 = arith.shrsi %bitcast3A_1256, %shift_right_arithmetic3A_1258 : vector<16xi32>
      %and3A_1260 = arith.andi %shift_right_arithmetic3A_1259, %broadcast_in_dim3A_40 : vector<16xi32>
      %add3A_1261 = arith.addi %bitcast3A_1256, %and3A_1260 : vector<16xi32>
      %add3A_1262 = arith.addi %add3A_1261, %broadcast_in_dim3A_36 : vector<16xi32>
      %and3A_1263 = arith.andi %add3A_1262, %broadcast_in_dim3A_38 : vector<16xi32>
      %bitcast3A_1264 = vector.bitcast %and3A_1263 : vector<16xi32> to vector<16xf32>
      %mul3A_1265 = arith.mulf %bitcast3A_1264, %bitcast3A_63 : vector<16xf32>
      %add3A_1266 = arith.addf %mul3A_1255, %mul3A_1265 : vector<16xf32>
      %mul3A_1267 = arith.mulf %mul3A_1245, %abs3A_1242 : vector<16xf32>
      %bitcast3A_1268 = vector.bitcast %mul3A_1267 : vector<16xf32> to vector<16xi32>
      %shift_right_arithmetic3A_1269 = arith.constant 16 : i32
      %shift_right_arithmetic3A_1270 = vector.broadcast %shift_right_arithmetic3A_1269 : i32 to vector<16xi32>
      %shift_right_arithmetic3A_1271 = arith.shrsi %bitcast3A_1268, %shift_right_arithmetic3A_1270 : vector<16xi32>
      %and3A_1272 = arith.andi %shift_right_arithmetic3A_1271, %broadcast_in_dim3A_40 : vector<16xi32>
      %add3A_1273 = arith.addi %bitcast3A_1268, %and3A_1272 : vector<16xi32>
      %add3A_1274 = arith.addi %add3A_1273, %broadcast_in_dim3A_36 : vector<16xi32>
      %and3A_1275 = arith.andi %add3A_1274, %broadcast_in_dim3A_38 : vector<16xi32>
      %bitcast3A_1276 = vector.bitcast %and3A_1275 : vector<16xi32> to vector<16xf32>
      %mul3A_1277 = arith.mulf %bitcast3A_1276, %bitcast3A_76 : vector<16xf32>
      %add3A_1278 = arith.addf %add3A_1266, %mul3A_1277 : vector<16xf32>
      %mul3A_1279 = arith.constant 0.00999999977 : f32
      %mul3A_1280 = vector.broadcast %mul3A_1279 : f32 to vector<16xf32>
      %mul3A_1281 = arith.mulf %add3A_1278, %mul3A_1280 : vector<16xf32>
      %max3A_1282 = arith.maximumf %add3A_1278, %mul3A_1281 : vector<16xf32>
      %get3A_1283 = arith.constant 31 : i32
      %get3A_1284 = arith.index_cast %get3A_1283 : i32 to index
      %get3A_1285 = arith.constant 0 : index
      %get3A_1286 = tpu.vector_load %arg7[%get3A_1284, %get3A_1285] {strides = array<i32>} : memref<39x16xf32, #tpu.memory_space<vmem>>, vector<16xf32>,
      %mul3A_1287 = arith.mulf %max3A_1282, %get3A_1286 : vector<16xf32>
      %bitcast3A_1288 = vector.bitcast %mul3A_1287 : vector<16xf32> to vector<16xi32>
      %xor3A_1289 = arith.xori %bitcast3A_1288, %and3A_1244 : vector<16xi32>
      %bitcast3A_1290 = vector.bitcast %xor3A_1289 : vector<16xi32> to vector<16xf32>
      %sub3A_1291 = arith.subf %sub3A_1239, %bitcast3A_1290 : vector<16xf32>
      %add3A_1292 = arith.addf %add3A_1084, %bitcast3A_1290 : vector<16xf32>
      %sub3A_1293 = arith.subf %bitcast3A_146, %bitcast3A_210 : vector<16xf32>
      %abs3A_1294 = math.absf %sub3A_1293 : vector<16xf32>
      %bitcast3A_1295 = vector.bitcast %sub3A_1293 : vector<16xf32> to vector<16xi32>
      %and3A_1296 = arith.andi %bitcast3A_1295, %broadcast_in_dim3A_34 : vector<16xi32>
      %mul3A_1297 = arith.mulf %sub3A_1293, %sub3A_1293 : vector<16xf32>
      %bitcast3A_1298 = vector.bitcast %abs3A_1294 : vector<16xf32> to vector<16xi32>
      %shift_right_arithmetic3A_1299 = arith.constant 16 : i32
      %shift_right_arithmetic3A_1300 = vector.broadcast %shift_right_arithmetic3A_1299 : i32 to vector<16xi32>
      %shift_right_arithmetic3A_1301 = arith.shrsi %bitcast3A_1298, %shift_right_arithmetic3A_1300 : vector<16xi32>
      %and3A_1302 = arith.andi %shift_right_arithmetic3A_1301, %broadcast_in_dim3A_40 : vector<16xi32>
      %add3A_1303 = arith.addi %bitcast3A_1298, %and3A_1302 : vector<16xi32>
      %add3A_1304 = arith.addi %add3A_1303, %broadcast_in_dim3A_36 : vector<16xi32>
      %and3A_1305 = arith.andi %add3A_1304, %broadcast_in_dim3A_38 : vector<16xi32>
      %bitcast3A_1306 = vector.bitcast %and3A_1305 : vector<16xi32> to vector<16xf32>
      %mul3A_1307 = arith.mulf %bitcast3A_1306, %bitcast3A_50 : vector<16xf32>
      %bitcast3A_1308 = vector.bitcast %mul3A_1297 : vector<16xf32> to vector<16xi32>
      %shift_right_arithmetic3A_1309 = arith.constant 16 : i32
      %shift_right_arithmetic3A_1310 = vector.broadcast %shift_right_arithmetic3A_1309 : i32 to vector<16xi32>
      %shift_right_arithmetic3A_1311 = arith.shrsi %bitcast3A_1308, %shift_right_arithmetic3A_1310 : vector<16xi32>
      %and3A_1312 = arith.andi %shift_right_arithmetic3A_1311, %broadcast_in_dim3A_40 : vector<16xi32>
      %add3A_1313 = arith.addi %bitcast3A_1308, %and3A_1312 : vector<16xi32>
      %add3A_1314 = arith.addi %add3A_1313, %broadcast_in_dim3A_36 : vector<16xi32>
      %and3A_1315 = arith.andi %add3A_1314, %broadcast_in_dim3A_38 : vector<16xi32>
      %bitcast3A_1316 = vector.bitcast %and3A_1315 : vector<16xi32> to vector<16xf32>
      %mul3A_1317 = arith.mulf %bitcast3A_1316, %bitcast3A_63 : vector<16xf32>
      %add3A_1318 = arith.addf %mul3A_1307, %mul3A_1317 : vector<16xf32>
      %mul3A_1319 = arith.mulf %mul3A_1297, %abs3A_1294 : vector<16xf32>
      %bitcast3A_1320 = vector.bitcast %mul3A_1319 : vector<16xf32> to vector<16xi32>
      %shift_right_arithmetic3A_1321 = arith.constant 16 : i32
      %shift_right_arithmetic3A_1322 = vector.broadcast %shift_right_arithmetic3A_1321 : i32 to vector<16xi32>
      %shift_right_arithmetic3A_1323 = arith.shrsi %bitcast3A_1320, %shift_right_arithmetic3A_1322 : vector<16xi32>
      %and3A_1324 = arith.andi %shift_right_arithmetic3A_1323, %broadcast_in_dim3A_40 : vector<16xi32>
      %add3A_1325 = arith.addi %bitcast3A_1320, %and3A_1324 : vector<16xi32>
      %add3A_1326 = arith.addi %add3A_1325, %broadcast_in_dim3A_36 : vector<16xi32>
      %and3A_1327 = arith.andi %add3A_1326, %broadcast_in_dim3A_38 : vector<16xi32>
      %bitcast3A_1328 = vector.bitcast %and3A_1327 : vector<16xi32> to vector<16xf32>
      %mul3A_1329 = arith.mulf %bitcast3A_1328, %bitcast3A_76 : vector<16xf32>
      %add3A_1330 = arith.addf %add3A_1318, %mul3A_1329 : vector<16xf32>
      %mul3A_1331 = arith.constant 0.00999999977 : f32
      %mul3A_1332 = vector.broadcast %mul3A_1331 : f32 to vector<16xf32>
      %mul3A_1333 = arith.mulf %add3A_1330, %mul3A_1332 : vector<16xf32>
      %max3A_1334 = arith.maximumf %add3A_1330, %mul3A_1333 : vector<16xf32>
      %get3A_1335 = arith.constant 32 : i32
      %get3A_1336 = arith.index_cast %get3A_1335 : i32 to index
      %get3A_1337 = arith.constant 0 : index
      %get3A_1338 = tpu.vector_load %arg7[%get3A_1336, %get3A_1337] {strides = array<i32>} : memref<39x16xf32, #tpu.memory_space<vmem>>, vector<16xf32>,
      %mul3A_1339 = arith.mulf %max3A_1334, %get3A_1338 : vector<16xf32>
      %bitcast3A_1340 = vector.bitcast %mul3A_1339 : vector<16xf32> to vector<16xi32>
      %xor3A_1341 = arith.xori %bitcast3A_1340, %and3A_1296 : vector<16xi32>
      %bitcast3A_1342 = vector.bitcast %xor3A_1341 : vector<16xi32> to vector<16xf32>
      %sub3A_1343 = arith.subf %sub3A_1291, %bitcast3A_1342 : vector<16xf32>
      %add3A_1344 = arith.addf %add3A_1136, %bitcast3A_1342 : vector<16xf32>
      %sub3A_1345 = arith.subf %bitcast3A_162, %bitcast3A_178 : vector<16xf32>
      %abs3A_1346 = math.absf %sub3A_1345 : vector<16xf32>
      %bitcast3A_1347 = vector.bitcast %sub3A_1345 : vector<16xf32> to vector<16xi32>
      %and3A_1348 = arith.andi %bitcast3A_1347, %broadcast_in_dim3A_34 : vector<16xi32>
      %mul3A_1349 = arith.mulf %sub3A_1345, %sub3A_1345 : vector<16xf32>
      %bitcast3A_1350 = vector.bitcast %abs3A_1346 : vector<16xf32> to vector<16xi32>
      %shift_right_arithmetic3A_1351 = arith.constant 16 : i32
      %shift_right_arithmetic3A_1352 = vector.broadcast %shift_right_arithmetic3A_1351 : i32 to vector<16xi32>
      %shift_right_arithmetic3A_1353 = arith.shrsi %bitcast3A_1350, %shift_right_arithmetic3A_1352 : vector<16xi32>
      %and3A_1354 = arith.andi %shift_right_arithmetic3A_1353, %broadcast_in_dim3A_40 : vector<16xi32>
      %add3A_1355 = arith.addi %bitcast3A_1350, %and3A_1354 : vector<16xi32>
      %add3A_1356 = arith.addi %add3A_1355, %broadcast_in_dim3A_36 : vector<16xi32>
      %and3A_1357 = arith.andi %add3A_1356, %broadcast_in_dim3A_38 : vector<16xi32>
      %bitcast3A_1358 = vector.bitcast %and3A_1357 : vector<16xi32> to vector<16xf32>
      %mul3A_1359 = arith.mulf %bitcast3A_1358, %bitcast3A_50 : vector<16xf32>
      %bitcast3A_1360 = vector.bitcast %mul3A_1349 : vector<16xf32> to vector<16xi32>
      %shift_right_arithmetic3A_1361 = arith.constant 16 : i32
      %shift_right_arithmetic3A_1362 = vector.broadcast %shift_right_arithmetic3A_1361 : i32 to vector<16xi32>
      %shift_right_arithmetic3A_1363 = arith.shrsi %bitcast3A_1360, %shift_right_arithmetic3A_1362 : vector<16xi32>
      %and3A_1364 = arith.andi %shift_right_arithmetic3A_1363, %broadcast_in_dim3A_40 : vector<16xi32>
      %add3A_1365 = arith.addi %bitcast3A_1360, %and3A_1364 : vector<16xi32>
      %add3A_1366 = arith.addi %add3A_1365, %broadcast_in_dim3A_36 : vector<16xi32>
      %and3A_1367 = arith.andi %add3A_1366, %broadcast_in_dim3A_38 : vector<16xi32>
      %bitcast3A_1368 = vector.bitcast %and3A_1367 : vector<16xi32> to vector<16xf32>
      %mul3A_1369 = arith.mulf %bitcast3A_1368, %bitcast3A_63 : vector<16xf32>
      %add3A_1370 = arith.addf %mul3A_1359, %mul3A_1369 : vector<16xf32>
      %mul3A_1371 = arith.mulf %mul3A_1349, %abs3A_1346 : vector<16xf32>
      %bitcast3A_1372 = vector.bitcast %mul3A_1371 : vector<16xf32> to vector<16xi32>
      %shift_right_arithmetic3A_1373 = arith.constant 16 : i32
      %shift_right_arithmetic3A_1374 = vector.broadcast %shift_right_arithmetic3A_1373 : i32 to vector<16xi32>
      %shift_right_arithmetic3A_1375 = arith.shrsi %bitcast3A_1372, %shift_right_arithmetic3A_1374 : vector<16xi32>
      %and3A_1376 = arith.andi %shift_right_arithmetic3A_1375, %broadcast_in_dim3A_40 : vector<16xi32>
      %add3A_1377 = arith.addi %bitcast3A_1372, %and3A_1376 : vector<16xi32>
      %add3A_1378 = arith.addi %add3A_1377, %broadcast_in_dim3A_36 : vector<16xi32>
      %and3A_1379 = arith.andi %add3A_1378, %broadcast_in_dim3A_38 : vector<16xi32>
      %bitcast3A_1380 = vector.bitcast %and3A_1379 : vector<16xi32> to vector<16xf32>
      %mul3A_1381 = arith.mulf %bitcast3A_1380, %bitcast3A_76 : vector<16xf32>
      %add3A_1382 = arith.addf %add3A_1370, %mul3A_1381 : vector<16xf32>
      %mul3A_1383 = arith.constant 0.00999999977 : f32
      %mul3A_1384 = vector.broadcast %mul3A_1383 : f32 to vector<16xf32>
      %mul3A_1385 = arith.mulf %add3A_1382, %mul3A_1384 : vector<16xf32>
      %max3A_1386 = arith.maximumf %add3A_1382, %mul3A_1385 : vector<16xf32>
      %get3A_1387 = arith.constant 33 : i32
      %get3A_1388 = arith.index_cast %get3A_1387 : i32 to index
      %get3A_1389 = arith.constant 0 : index
      %get3A_1390 = tpu.vector_load %arg7[%get3A_1388, %get3A_1389] {strides = array<i32>} : memref<39x16xf32, #tpu.memory_space<vmem>>, vector<16xf32>,
      %mul3A_1391 = arith.mulf %max3A_1386, %get3A_1390 : vector<16xf32>
      %bitcast3A_1392 = vector.bitcast %mul3A_1391 : vector<16xf32> to vector<16xi32>
      %xor3A_1393 = arith.xori %bitcast3A_1392, %and3A_1348 : vector<16xi32>
      %bitcast3A_1394 = vector.bitcast %xor3A_1393 : vector<16xi32> to vector<16xf32>
      %sub3A_1395 = arith.subf %add3A_1188, %bitcast3A_1394 : vector<16xf32>
      %add3A_1396 = arith.addf %add3A_1240, %bitcast3A_1394 : vector<16xf32>
      %sub3A_1397 = arith.subf %bitcast3A_162, %bitcast3A_194 : vector<16xf32>
      %abs3A_1398 = math.absf %sub3A_1397 : vector<16xf32>
      %bitcast3A_1399 = vector.bitcast %sub3A_1397 : vector<16xf32> to vector<16xi32>
      %and3A_1400 = arith.andi %bitcast3A_1399, %broadcast_in_dim3A_34 : vector<16xi32>
      %mul3A_1401 = arith.mulf %sub3A_1397, %sub3A_1397 : vector<16xf32>
      %bitcast3A_1402 = vector.bitcast %abs3A_1398 : vector<16xf32> to vector<16xi32>
      %shift_right_arithmetic3A_1403 = arith.constant 16 : i32
      %shift_right_arithmetic3A_1404 = vector.broadcast %shift_right_arithmetic3A_1403 : i32 to vector<16xi32>
      %shift_right_arithmetic3A_1405 = arith.shrsi %bitcast3A_1402, %shift_right_arithmetic3A_1404 : vector<16xi32>
      %and3A_1406 = arith.andi %shift_right_arithmetic3A_1405, %broadcast_in_dim3A_40 : vector<16xi32>
      %add3A_1407 = arith.addi %bitcast3A_1402, %and3A_1406 : vector<16xi32>
      %add3A_1408 = arith.addi %add3A_1407, %broadcast_in_dim3A_36 : vector<16xi32>
      %and3A_1409 = arith.andi %add3A_1408, %broadcast_in_dim3A_38 : vector<16xi32>
      %bitcast3A_1410 = vector.bitcast %and3A_1409 : vector<16xi32> to vector<16xf32>
      %mul3A_1411 = arith.mulf %bitcast3A_1410, %bitcast3A_50 : vector<16xf32>
      %bitcast3A_1412 = vector.bitcast %mul3A_1401 : vector<16xf32> to vector<16xi32>
      %shift_right_arithmetic3A_1413 = arith.constant 16 : i32
      %shift_right_arithmetic3A_1414 = vector.broadcast %shift_right_arithmetic3A_1413 : i32 to vector<16xi32>
      %shift_right_arithmetic3A_1415 = arith.shrsi %bitcast3A_1412, %shift_right_arithmetic3A_1414 : vector<16xi32>
      %and3A_1416 = arith.andi %shift_right_arithmetic3A_1415, %broadcast_in_dim3A_40 : vector<16xi32>
      %add3A_1417 = arith.addi %bitcast3A_1412, %and3A_1416 : vector<16xi32>
      %add3A_1418 = arith.addi %add3A_1417, %broadcast_in_dim3A_36 : vector<16xi32>
      %and3A_1419 = arith.andi %add3A_1418, %broadcast_in_dim3A_38 : vector<16xi32>
      %bitcast3A_1420 = vector.bitcast %and3A_1419 : vector<16xi32> to vector<16xf32>
      %mul3A_1421 = arith.mulf %bitcast3A_1420, %bitcast3A_63 : vector<16xf32>
      %add3A_1422 = arith.addf %mul3A_1411, %mul3A_1421 : vector<16xf32>
      %mul3A_1423 = arith.mulf %mul3A_1401, %abs3A_1398 : vector<16xf32>
      %bitcast3A_1424 = vector.bitcast %mul3A_1423 : vector<16xf32> to vector<16xi32>
      %shift_right_arithmetic3A_1425 = arith.constant 16 : i32
      %shift_right_arithmetic3A_1426 = vector.broadcast %shift_right_arithmetic3A_1425 : i32 to vector<16xi32>
      %shift_right_arithmetic3A_1427 = arith.shrsi %bitcast3A_1424, %shift_right_arithmetic3A_1426 : vector<16xi32>
      %and3A_1428 = arith.andi %shift_right_arithmetic3A_1427, %broadcast_in_dim3A_40 : vector<16xi32>
      %add3A_1429 = arith.addi %bitcast3A_1424, %and3A_1428 : vector<16xi32>
      %add3A_1430 = arith.addi %add3A_1429, %broadcast_in_dim3A_36 : vector<16xi32>
      %and3A_1431 = arith.andi %add3A_1430, %broadcast_in_dim3A_38 : vector<16xi32>
      %bitcast3A_1432 = vector.bitcast %and3A_1431 : vector<16xi32> to vector<16xf32>
      %mul3A_1433 = arith.mulf %bitcast3A_1432, %bitcast3A_76 : vector<16xf32>
      %add3A_1434 = arith.addf %add3A_1422, %mul3A_1433 : vector<16xf32>
      %mul3A_1435 = arith.constant 0.00999999977 : f32
      %mul3A_1436 = vector.broadcast %mul3A_1435 : f32 to vector<16xf32>
      %mul3A_1437 = arith.mulf %add3A_1434, %mul3A_1436 : vector<16xf32>
      %max3A_1438 = arith.maximumf %add3A_1434, %mul3A_1437 : vector<16xf32>
      %get3A_1439 = arith.constant 34 : i32
      %get3A_1440 = arith.index_cast %get3A_1439 : i32 to index
      %get3A_1441 = arith.constant 0 : index
      %get3A_1442 = tpu.vector_load %arg7[%get3A_1440, %get3A_1441] {strides = array<i32>} : memref<39x16xf32, #tpu.memory_space<vmem>>, vector<16xf32>,
      %mul3A_1443 = arith.mulf %max3A_1438, %get3A_1442 : vector<16xf32>
      %bitcast3A_1444 = vector.bitcast %mul3A_1443 : vector<16xf32> to vector<16xi32>
      %xor3A_1445 = arith.xori %bitcast3A_1444, %and3A_1400 : vector<16xi32>
      %bitcast3A_1446 = vector.bitcast %xor3A_1445 : vector<16xi32> to vector<16xf32>
      %sub3A_1447 = arith.subf %sub3A_1395, %bitcast3A_1446 : vector<16xf32>
      %add3A_1448 = arith.addf %add3A_1292, %bitcast3A_1446 : vector<16xf32>
      %sub3A_1449 = arith.subf %bitcast3A_162, %bitcast3A_210 : vector<16xf32>
      %abs3A_1450 = math.absf %sub3A_1449 : vector<16xf32>
      %bitcast3A_1451 = vector.bitcast %sub3A_1449 : vector<16xf32> to vector<16xi32>
      %and3A_1452 = arith.andi %bitcast3A_1451, %broadcast_in_dim3A_34 : vector<16xi32>
      %mul3A_1453 = arith.mulf %sub3A_1449, %sub3A_1449 : vector<16xf32>
      %bitcast3A_1454 = vector.bitcast %abs3A_1450 : vector<16xf32> to vector<16xi32>
      %shift_right_arithmetic3A_1455 = arith.constant 16 : i32
      %shift_right_arithmetic3A_1456 = vector.broadcast %shift_right_arithmetic3A_1455 : i32 to vector<16xi32>
      %shift_right_arithmetic3A_1457 = arith.shrsi %bitcast3A_1454, %shift_right_arithmetic3A_1456 : vector<16xi32>
      %and3A_1458 = arith.andi %shift_right_arithmetic3A_1457, %broadcast_in_dim3A_40 : vector<16xi32>
      %add3A_1459 = arith.addi %bitcast3A_1454, %and3A_1458 : vector<16xi32>
      %add3A_1460 = arith.addi %add3A_1459, %broadcast_in_dim3A_36 : vector<16xi32>
      %and3A_1461 = arith.andi %add3A_1460, %broadcast_in_dim3A_38 : vector<16xi32>
      %bitcast3A_1462 = vector.bitcast %and3A_1461 : vector<16xi32> to vector<16xf32>
      %mul3A_1463 = arith.mulf %bitcast3A_1462, %bitcast3A_50 : vector<16xf32>
      %bitcast3A_1464 = vector.bitcast %mul3A_1453 : vector<16xf32> to vector<16xi32>
      %shift_right_arithmetic3A_1465 = arith.constant 16 : i32
      %shift_right_arithmetic3A_1466 = vector.broadcast %shift_right_arithmetic3A_1465 : i32 to vector<16xi32>
      %shift_right_arithmetic3A_1467 = arith.shrsi %bitcast3A_1464, %shift_right_arithmetic3A_1466 : vector<16xi32>
      %and3A_1468 = arith.andi %shift_right_arithmetic3A_1467, %broadcast_in_dim3A_40 : vector<16xi32>
      %add3A_1469 = arith.addi %bitcast3A_1464, %and3A_1468 : vector<16xi32>
      %add3A_1470 = arith.addi %add3A_1469, %broadcast_in_dim3A_36 : vector<16xi32>
      %and3A_1471 = arith.andi %add3A_1470, %broadcast_in_dim3A_38 : vector<16xi32>
      %bitcast3A_1472 = vector.bitcast %and3A_1471 : vector<16xi32> to vector<16xf32>
      %mul3A_1473 = arith.mulf %bitcast3A_1472, %bitcast3A_63 : vector<16xf32>
      %add3A_1474 = arith.addf %mul3A_1463, %mul3A_1473 : vector<16xf32>
      %mul3A_1475 = arith.mulf %mul3A_1453, %abs3A_1450 : vector<16xf32>
      %bitcast3A_1476 = vector.bitcast %mul3A_1475 : vector<16xf32> to vector<16xi32>
      %shift_right_arithmetic3A_1477 = arith.constant 16 : i32
      %shift_right_arithmetic3A_1478 = vector.broadcast %shift_right_arithmetic3A_1477 : i32 to vector<16xi32>
      %shift_right_arithmetic3A_1479 = arith.shrsi %bitcast3A_1476, %shift_right_arithmetic3A_1478 : vector<16xi32>
      %and3A_1480 = arith.andi %shift_right_arithmetic3A_1479, %broadcast_in_dim3A_40 : vector<16xi32>
      %add3A_1481 = arith.addi %bitcast3A_1476, %and3A_1480 : vector<16xi32>
      %add3A_1482 = arith.addi %add3A_1481, %broadcast_in_dim3A_36 : vector<16xi32>
      %and3A_1483 = arith.andi %add3A_1482, %broadcast_in_dim3A_38 : vector<16xi32>
      %bitcast3A_1484 = vector.bitcast %and3A_1483 : vector<16xi32> to vector<16xf32>
      %mul3A_1485 = arith.mulf %bitcast3A_1484, %bitcast3A_76 : vector<16xf32>
      %add3A_1486 = arith.addf %add3A_1474, %mul3A_1485 : vector<16xf32>
      %mul3A_1487 = arith.constant 0.00999999977 : f32
      %mul3A_1488 = vector.broadcast %mul3A_1487 : f32 to vector<16xf32>
      %mul3A_1489 = arith.mulf %add3A_1486, %mul3A_1488 : vector<16xf32>
      %max3A_1490 = arith.maximumf %add3A_1486, %mul3A_1489 : vector<16xf32>
      %get3A_1491 = arith.constant 35 : i32
      %get3A_1492 = arith.index_cast %get3A_1491 : i32 to index
      %get3A_1493 = arith.constant 0 : index
      %get3A_1494 = tpu.vector_load %arg7[%get3A_1492, %get3A_1493] {strides = array<i32>} : memref<39x16xf32, #tpu.memory_space<vmem>>, vector<16xf32>,
      %mul3A_1495 = arith.mulf %max3A_1490, %get3A_1494 : vector<16xf32>
      %bitcast3A_1496 = vector.bitcast %mul3A_1495 : vector<16xf32> to vector<16xi32>
      %xor3A_1497 = arith.xori %bitcast3A_1496, %and3A_1452 : vector<16xi32>
      %bitcast3A_1498 = vector.bitcast %xor3A_1497 : vector<16xi32> to vector<16xf32>
      %sub3A_1499 = arith.subf %sub3A_1447, %bitcast3A_1498 : vector<16xf32>
      %add3A_1500 = arith.addf %add3A_1344, %bitcast3A_1498 : vector<16xf32>
      %sub3A_1501 = arith.subf %bitcast3A_178, %bitcast3A_194 : vector<16xf32>
      %abs3A_1502 = math.absf %sub3A_1501 : vector<16xf32>
      %bitcast3A_1503 = vector.bitcast %sub3A_1501 : vector<16xf32> to vector<16xi32>
      %and3A_1504 = arith.andi %bitcast3A_1503, %broadcast_in_dim3A_34 : vector<16xi32>
      %mul3A_1505 = arith.mulf %sub3A_1501, %sub3A_1501 : vector<16xf32>
      %bitcast3A_1506 = vector.bitcast %abs3A_1502 : vector<16xf32> to vector<16xi32>
      %shift_right_arithmetic3A_1507 = arith.constant 16 : i32
      %shift_right_arithmetic3A_1508 = vector.broadcast %shift_right_arithmetic3A_1507 : i32 to vector<16xi32>
      %shift_right_arithmetic3A_1509 = arith.shrsi %bitcast3A_1506, %shift_right_arithmetic3A_1508 : vector<16xi32>
      %and3A_1510 = arith.andi %shift_right_arithmetic3A_1509, %broadcast_in_dim3A_40 : vector<16xi32>
      %add3A_1511 = arith.addi %bitcast3A_1506, %and3A_1510 : vector<16xi32>
      %add3A_1512 = arith.addi %add3A_1511, %broadcast_in_dim3A_36 : vector<16xi32>
      %and3A_1513 = arith.andi %add3A_1512, %broadcast_in_dim3A_38 : vector<16xi32>
      %bitcast3A_1514 = vector.bitcast %and3A_1513 : vector<16xi32> to vector<16xf32>
      %mul3A_1515 = arith.mulf %bitcast3A_1514, %bitcast3A_50 : vector<16xf32>
      %bitcast3A_1516 = vector.bitcast %mul3A_1505 : vector<16xf32> to vector<16xi32>
      %shift_right_arithmetic3A_1517 = arith.constant 16 : i32
      %shift_right_arithmetic3A_1518 = vector.broadcast %shift_right_arithmetic3A_1517 : i32 to vector<16xi32>
      %shift_right_arithmetic3A_1519 = arith.shrsi %bitcast3A_1516, %shift_right_arithmetic3A_1518 : vector<16xi32>
      %and3A_1520 = arith.andi %shift_right_arithmetic3A_1519, %broadcast_in_dim3A_40 : vector<16xi32>
      %add3A_1521 = arith.addi %bitcast3A_1516, %and3A_1520 : vector<16xi32>
      %add3A_1522 = arith.addi %add3A_1521, %broadcast_in_dim3A_36 : vector<16xi32>
      %and3A_1523 = arith.andi %add3A_1522, %broadcast_in_dim3A_38 : vector<16xi32>
      %bitcast3A_1524 = vector.bitcast %and3A_1523 : vector<16xi32> to vector<16xf32>
      %mul3A_1525 = arith.mulf %bitcast3A_1524, %bitcast3A_63 : vector<16xf32>
      %add3A_1526 = arith.addf %mul3A_1515, %mul3A_1525 : vector<16xf32>
      %mul3A_1527 = arith.mulf %mul3A_1505, %abs3A_1502 : vector<16xf32>
      %bitcast3A_1528 = vector.bitcast %mul3A_1527 : vector<16xf32> to vector<16xi32>
      %shift_right_arithmetic3A_1529 = arith.constant 16 : i32
      %shift_right_arithmetic3A_1530 = vector.broadcast %shift_right_arithmetic3A_1529 : i32 to vector<16xi32>
      %shift_right_arithmetic3A_1531 = arith.shrsi %bitcast3A_1528, %shift_right_arithmetic3A_1530 : vector<16xi32>
      %and3A_1532 = arith.andi %shift_right_arithmetic3A_1531, %broadcast_in_dim3A_40 : vector<16xi32>
      %add3A_1533 = arith.addi %bitcast3A_1528, %and3A_1532 : vector<16xi32>
      %add3A_1534 = arith.addi %add3A_1533, %broadcast_in_dim3A_36 : vector<16xi32>
      %and3A_1535 = arith.andi %add3A_1534, %broadcast_in_dim3A_38 : vector<16xi32>
      %bitcast3A_1536 = vector.bitcast %and3A_1535 : vector<16xi32> to vector<16xf32>
      %mul3A_1537 = arith.mulf %bitcast3A_1536, %bitcast3A_76 : vector<16xf32>
      %add3A_1538 = arith.addf %add3A_1526, %mul3A_1537 : vector<16xf32>
      %mul3A_1539 = arith.constant 0.00999999977 : f32
      %mul3A_1540 = vector.broadcast %mul3A_1539 : f32 to vector<16xf32>
      %mul3A_1541 = arith.mulf %add3A_1538, %mul3A_1540 : vector<16xf32>
      %max3A_1542 = arith.maximumf %add3A_1538, %mul3A_1541 : vector<16xf32>
      %get3A_1543 = arith.constant 36 : i32
      %get3A_1544 = arith.index_cast %get3A_1543 : i32 to index
      %get3A_1545 = arith.constant 0 : index
      %get3A_1546 = tpu.vector_load %arg7[%get3A_1544, %get3A_1545] {strides = array<i32>} : memref<39x16xf32, #tpu.memory_space<vmem>>, vector<16xf32>,
      %mul3A_1547 = arith.mulf %max3A_1542, %get3A_1546 : vector<16xf32>
      %bitcast3A_1548 = vector.bitcast %mul3A_1547 : vector<16xf32> to vector<16xi32>
      %xor3A_1549 = arith.xori %bitcast3A_1548, %and3A_1504 : vector<16xi32>
      %bitcast3A_1550 = vector.bitcast %xor3A_1549 : vector<16xi32> to vector<16xf32>
      %sub3A_1551 = arith.subf %add3A_1396, %bitcast3A_1550 : vector<16xf32>
      %add3A_1552 = arith.addf %add3A_1448, %bitcast3A_1550 : vector<16xf32>
      %sub3A_1553 = arith.subf %bitcast3A_178, %bitcast3A_210 : vector<16xf32>
      %abs3A_1554 = math.absf %sub3A_1553 : vector<16xf32>
      %bitcast3A_1555 = vector.bitcast %sub3A_1553 : vector<16xf32> to vector<16xi32>
      %and3A_1556 = arith.andi %bitcast3A_1555, %broadcast_in_dim3A_34 : vector<16xi32>
      %mul3A_1557 = arith.mulf %sub3A_1553, %sub3A_1553 : vector<16xf32>
      %bitcast3A_1558 = vector.bitcast %abs3A_1554 : vector<16xf32> to vector<16xi32>
      %shift_right_arithmetic3A_1559 = arith.constant 16 : i32
      %shift_right_arithmetic3A_1560 = vector.broadcast %shift_right_arithmetic3A_1559 : i32 to vector<16xi32>
      %shift_right_arithmetic3A_1561 = arith.shrsi %bitcast3A_1558, %shift_right_arithmetic3A_1560 : vector<16xi32>
      %and3A_1562 = arith.andi %shift_right_arithmetic3A_1561, %broadcast_in_dim3A_40 : vector<16xi32>
      %add3A_1563 = arith.addi %bitcast3A_1558, %and3A_1562 : vector<16xi32>
      %add3A_1564 = arith.addi %add3A_1563, %broadcast_in_dim3A_36 : vector<16xi32>
      %and3A_1565 = arith.andi %add3A_1564, %broadcast_in_dim3A_38 : vector<16xi32>
      %bitcast3A_1566 = vector.bitcast %and3A_1565 : vector<16xi32> to vector<16xf32>
      %mul3A_1567 = arith.mulf %bitcast3A_1566, %bitcast3A_50 : vector<16xf32>
      %bitcast3A_1568 = vector.bitcast %mul3A_1557 : vector<16xf32> to vector<16xi32>
      %shift_right_arithmetic3A_1569 = arith.constant 16 : i32
      %shift_right_arithmetic3A_1570 = vector.broadcast %shift_right_arithmetic3A_1569 : i32 to vector<16xi32>
      %shift_right_arithmetic3A_1571 = arith.shrsi %bitcast3A_1568, %shift_right_arithmetic3A_1570 : vector<16xi32>
      %and3A_1572 = arith.andi %shift_right_arithmetic3A_1571, %broadcast_in_dim3A_40 : vector<16xi32>
      %add3A_1573 = arith.addi %bitcast3A_1568, %and3A_1572 : vector<16xi32>
      %add3A_1574 = arith.addi %add3A_1573, %broadcast_in_dim3A_36 : vector<16xi32>
      %and3A_1575 = arith.andi %add3A_1574, %broadcast_in_dim3A_38 : vector<16xi32>
      %bitcast3A_1576 = vector.bitcast %and3A_1575 : vector<16xi32> to vector<16xf32>
      %mul3A_1577 = arith.mulf %bitcast3A_1576, %bitcast3A_63 : vector<16xf32>
      %add3A_1578 = arith.addf %mul3A_1567, %mul3A_1577 : vector<16xf32>
      %mul3A_1579 = arith.mulf %mul3A_1557, %abs3A_1554 : vector<16xf32>
      %bitcast3A_1580 = vector.bitcast %mul3A_1579 : vector<16xf32> to vector<16xi32>
      %shift_right_arithmetic3A_1581 = arith.constant 16 : i32
      %shift_right_arithmetic3A_1582 = vector.broadcast %shift_right_arithmetic3A_1581 : i32 to vector<16xi32>
      %shift_right_arithmetic3A_1583 = arith.shrsi %bitcast3A_1580, %shift_right_arithmetic3A_1582 : vector<16xi32>
      %and3A_1584 = arith.andi %shift_right_arithmetic3A_1583, %broadcast_in_dim3A_40 : vector<16xi32>
      %add3A_1585 = arith.addi %bitcast3A_1580, %and3A_1584 : vector<16xi32>
      %add3A_1586 = arith.addi %add3A_1585, %broadcast_in_dim3A_36 : vector<16xi32>
      %and3A_1587 = arith.andi %add3A_1586, %broadcast_in_dim3A_38 : vector<16xi32>
      %bitcast3A_1588 = vector.bitcast %and3A_1587 : vector<16xi32> to vector<16xf32>
      %mul3A_1589 = arith.mulf %bitcast3A_1588, %bitcast3A_76 : vector<16xf32>
      %add3A_1590 = arith.addf %add3A_1578, %mul3A_1589 : vector<16xf32>
      %mul3A_1591 = arith.constant 0.00999999977 : f32
      %mul3A_1592 = vector.broadcast %mul3A_1591 : f32 to vector<16xf32>
      %mul3A_1593 = arith.mulf %add3A_1590, %mul3A_1592 : vector<16xf32>
      %max3A_1594 = arith.maximumf %add3A_1590, %mul3A_1593 : vector<16xf32>
      %get3A_1595 = arith.constant 37 : i32
      %get3A_1596 = arith.index_cast %get3A_1595 : i32 to index
      %get3A_1597 = arith.constant 0 : index
      %get3A_1598 = tpu.vector_load %arg7[%get3A_1596, %get3A_1597] {strides = array<i32>} : memref<39x16xf32, #tpu.memory_space<vmem>>, vector<16xf32>,
      %mul3A_1599 = arith.mulf %max3A_1594, %get3A_1598 : vector<16xf32>
      %bitcast3A_1600 = vector.bitcast %mul3A_1599 : vector<16xf32> to vector<16xi32>
      %xor3A_1601 = arith.xori %bitcast3A_1600, %and3A_1556 : vector<16xi32>
      %bitcast3A_1602 = vector.bitcast %xor3A_1601 : vector<16xi32> to vector<16xf32>
      %sub3A_1603 = arith.subf %sub3A_1551, %bitcast3A_1602 : vector<16xf32>
      %add3A_1604 = arith.addf %add3A_1500, %bitcast3A_1602 : vector<16xf32>
      %sub3A_1605 = arith.subf %bitcast3A_194, %bitcast3A_210 : vector<16xf32>
      %abs3A_1606 = math.absf %sub3A_1605 : vector<16xf32>
      %bitcast3A_1607 = vector.bitcast %sub3A_1605 : vector<16xf32> to vector<16xi32>
      %and3A_1608 = arith.andi %bitcast3A_1607, %broadcast_in_dim3A_34 : vector<16xi32>
      %mul3A_1609 = arith.mulf %sub3A_1605, %sub3A_1605 : vector<16xf32>
      %bitcast3A_1610 = vector.bitcast %abs3A_1606 : vector<16xf32> to vector<16xi32>
      %shift_right_arithmetic3A_1611 = arith.constant 16 : i32
      %shift_right_arithmetic3A_1612 = vector.broadcast %shift_right_arithmetic3A_1611 : i32 to vector<16xi32>
      %shift_right_arithmetic3A_1613 = arith.shrsi %bitcast3A_1610, %shift_right_arithmetic3A_1612 : vector<16xi32>
      %and3A_1614 = arith.andi %shift_right_arithmetic3A_1613, %broadcast_in_dim3A_40 : vector<16xi32>
      %add3A_1615 = arith.addi %bitcast3A_1610, %and3A_1614 : vector<16xi32>
      %add3A_1616 = arith.addi %add3A_1615, %broadcast_in_dim3A_36 : vector<16xi32>
      %and3A_1617 = arith.andi %add3A_1616, %broadcast_in_dim3A_38 : vector<16xi32>
      %bitcast3A_1618 = vector.bitcast %and3A_1617 : vector<16xi32> to vector<16xf32>
      %mul3A_1619 = arith.mulf %bitcast3A_1618, %bitcast3A_50 : vector<16xf32>
      %bitcast3A_1620 = vector.bitcast %mul3A_1609 : vector<16xf32> to vector<16xi32>
      %shift_right_arithmetic3A_1621 = arith.constant 16 : i32
      %shift_right_arithmetic3A_1622 = vector.broadcast %shift_right_arithmetic3A_1621 : i32 to vector<16xi32>
      %shift_right_arithmetic3A_1623 = arith.shrsi %bitcast3A_1620, %shift_right_arithmetic3A_1622 : vector<16xi32>
      %and3A_1624 = arith.andi %shift_right_arithmetic3A_1623, %broadcast_in_dim3A_40 : vector<16xi32>
      %add3A_1625 = arith.addi %bitcast3A_1620, %and3A_1624 : vector<16xi32>
      %add3A_1626 = arith.addi %add3A_1625, %broadcast_in_dim3A_36 : vector<16xi32>
      %and3A_1627 = arith.andi %add3A_1626, %broadcast_in_dim3A_38 : vector<16xi32>
      %bitcast3A_1628 = vector.bitcast %and3A_1627 : vector<16xi32> to vector<16xf32>
      %mul3A_1629 = arith.mulf %bitcast3A_1628, %bitcast3A_63 : vector<16xf32>
      %add3A_1630 = arith.addf %mul3A_1619, %mul3A_1629 : vector<16xf32>
      %mul3A_1631 = arith.mulf %mul3A_1609, %abs3A_1606 : vector<16xf32>
      %bitcast3A_1632 = vector.bitcast %mul3A_1631 : vector<16xf32> to vector<16xi32>
      %shift_right_arithmetic3A_1633 = arith.constant 16 : i32
      %shift_right_arithmetic3A_1634 = vector.broadcast %shift_right_arithmetic3A_1633 : i32 to vector<16xi32>
      %shift_right_arithmetic3A_1635 = arith.shrsi %bitcast3A_1632, %shift_right_arithmetic3A_1634 : vector<16xi32>
      %and3A_1636 = arith.andi %shift_right_arithmetic3A_1635, %broadcast_in_dim3A_40 : vector<16xi32>
      %add3A_1637 = arith.addi %bitcast3A_1632, %and3A_1636 : vector<16xi32>
      %add3A_1638 = arith.addi %add3A_1637, %broadcast_in_dim3A_36 : vector<16xi32>
      %and3A_1639 = arith.andi %add3A_1638, %broadcast_in_dim3A_38 : vector<16xi32>
      %bitcast3A_1640 = vector.bitcast %and3A_1639 : vector<16xi32> to vector<16xf32>
      %mul3A_1641 = arith.mulf %bitcast3A_1640, %bitcast3A_76 : vector<16xf32>
      %add3A_1642 = arith.addf %add3A_1630, %mul3A_1641 : vector<16xf32>
      %mul3A_1643 = arith.constant 0.00999999977 : f32
      %mul3A_1644 = vector.broadcast %mul3A_1643 : f32 to vector<16xf32>
      %mul3A_1645 = arith.mulf %add3A_1642, %mul3A_1644 : vector<16xf32>
      %max3A_1646 = arith.maximumf %add3A_1642, %mul3A_1645 : vector<16xf32>
      %get3A_1647 = arith.constant 38 : i32
      %get3A_1648 = arith.index_cast %get3A_1647 : i32 to index
      %get3A_1649 = arith.constant 0 : index
      %get3A_1650 = tpu.vector_load %arg7[%get3A_1648, %get3A_1649] {strides = array<i32>} : memref<39x16xf32, #tpu.memory_space<vmem>>, vector<16xf32>,
      %mul3A_1651 = arith.mulf %max3A_1646, %get3A_1650 : vector<16xf32>
      %bitcast3A_1652 = vector.bitcast %mul3A_1651 : vector<16xf32> to vector<16xi32>
      %xor3A_1653 = arith.xori %bitcast3A_1652, %and3A_1608 : vector<16xi32>
      %bitcast3A_1654 = vector.bitcast %xor3A_1653 : vector<16xi32> to vector<16xf32>
      %sub3A_1655 = arith.subf %add3A_1552, %bitcast3A_1654 : vector<16xf32>
      %add3A_1656 = arith.addf %add3A_1604, %bitcast3A_1654 : vector<16xf32>
      %mul3A_1657 = arith.constant 16 : i32
      %mul3A_1658 = arith.muli %scan3A_82, %mul3A_1657 : i32
      %swap3A = arith.constant 0 : i32
      %swap3A_1659 = arith.index_cast %swap3A : i32 to index
      %swap3A_1660 = arith.index_cast %mul3A_1658 : i32 to index
      %swap3A_1661 = tpu.vector_load %arg6[%swap3A_1659, %swap3A_1660] {strides = array<i32>} : memref<8x512xf32, #tpu.memory_space<vmem>>, vector<16xf32>,
      tpu.vector_store %arg6[%swap3A_1659, %swap3A_1660], %sub3A_564 {strides = array<i32>} : memref<8x512xf32, #tpu.memory_space<vmem>>, vector<16xf32>,
      %mul3A_1662 = arith.constant 16 : i32
      %mul3A_1663 = arith.muli %scan3A_82, %mul3A_1662 : i32
      %swap3A_1664 = arith.constant 1 : i32
      %swap3A_1665 = arith.index_cast %swap3A_1664 : i32 to index
      %swap3A_1666 = arith.index_cast %mul3A_1663 : i32 to index
      %swap3A_1667 = tpu.vector_load %arg6[%swap3A_1665, %swap3A_1666] {strides = array<i32>} : memref<8x512xf32, #tpu.memory_space<vmem>>, vector<16xf32>,
      tpu.vector_store %arg6[%swap3A_1665, %swap3A_1666], %sub3A_875 {strides = array<i32>} : memref<8x512xf32, #tpu.memory_space<vmem>>, vector<16xf32>,
      %mul3A_1668 = arith.constant 16 : i32
      %mul3A_1669 = arith.muli %scan3A_82, %mul3A_1668 : i32
      %swap3A_1670 = arith.constant 2 : i32
      %swap3A_1671 = arith.index_cast %swap3A_1670 : i32 to index
      %swap3A_1672 = arith.index_cast %mul3A_1669 : i32 to index
      %swap3A_1673 = tpu.vector_load %arg6[%swap3A_1671, %swap3A_1672] {strides = array<i32>} : memref<8x512xf32, #tpu.memory_space<vmem>>, vector<16xf32>,
      tpu.vector_store %arg6[%swap3A_1671, %swap3A_1672], %sub3A_1135 {strides = array<i32>} : memref<8x512xf32, #tpu.memory_space<vmem>>, vector<16xf32>,
      %mul3A_1674 = arith.constant 16 : i32
      %mul3A_1675 = arith.muli %scan3A_82, %mul3A_1674 : i32
      %swap3A_1676 = arith.constant 3 : i32
      %swap3A_1677 = arith.index_cast %swap3A_1676 : i32 to index
      %swap3A_1678 = arith.index_cast %mul3A_1675 : i32 to index
      %swap3A_1679 = tpu.vector_load %arg6[%swap3A_1677, %swap3A_1678] {strides = array<i32>} : memref<8x512xf32, #tpu.memory_space<vmem>>, vector<16xf32>,
      tpu.vector_store %arg6[%swap3A_1677, %swap3A_1678], %sub3A_1343 {strides = array<i32>} : memref<8x512xf32, #tpu.memory_space<vmem>>, vector<16xf32>,
      %mul3A_1680 = arith.constant 16 : i32
      %mul3A_1681 = arith.muli %scan3A_82, %mul3A_1680 : i32
      %swap3A_1682 = arith.constant 4 : i32
      %swap3A_1683 = arith.index_cast %swap3A_1682 : i32 to index
      %swap3A_1684 = arith.index_cast %mul3A_1681 : i32 to index
      %swap3A_1685 = tpu.vector_load %arg6[%swap3A_1683, %swap3A_1684] {strides = array<i32>} : memref<8x512xf32, #tpu.memory_space<vmem>>, vector<16xf32>,
      tpu.vector_store %arg6[%swap3A_1683, %swap3A_1684], %sub3A_1499 {strides = array<i32>} : memref<8x512xf32, #tpu.memory_space<vmem>>, vector<16xf32>,
      %mul3A_1686 = arith.constant 16 : i32
      %mul3A_1687 = arith.muli %scan3A_82, %mul3A_1686 : i32
      %swap3A_1688 = arith.constant 5 : i32
      %swap3A_1689 = arith.index_cast %swap3A_1688 : i32 to index
      %swap3A_1690 = arith.index_cast %mul3A_1687 : i32 to index
      %swap3A_1691 = tpu.vector_load %arg6[%swap3A_1689, %swap3A_1690] {strides = array<i32>} : memref<8x512xf32, #tpu.memory_space<vmem>>, vector<16xf32>,
      tpu.vector_store %arg6[%swap3A_1689, %swap3A_1690], %sub3A_1603 {strides = array<i32>} : memref<8x512xf32, #tpu.memory_space<vmem>>, vector<16xf32>,
      %mul3A_1692 = arith.constant 16 : i32
      %mul3A_1693 = arith.muli %scan3A_82, %mul3A_1692 : i32
      %swap3A_1694 = arith.constant 6 : i32
      %swap3A_1695 = arith.index_cast %swap3A_1694 : i32 to index
      %swap3A_1696 = arith.index_cast %mul3A_1693 : i32 to index
      %swap3A_1697 = tpu.vector_load %arg6[%swap3A_1695, %swap3A_1696] {strides = array<i32>} : memref<8x512xf32, #tpu.memory_space<vmem>>, vector<16xf32>,
      tpu.vector_store %arg6[%swap3A_1695, %swap3A_1696], %sub3A_1655 {strides = array<i32>} : memref<8x512xf32, #tpu.memory_space<vmem>>, vector<16xf32>,
      %mul3A_1698 = arith.constant 16 : i32
      %mul3A_1699 = arith.muli %scan3A_82, %mul3A_1698 : i32
      %swap3A_1700 = arith.constant 7 : i32
      %swap3A_1701 = arith.index_cast %swap3A_1700 : i32 to index
      %swap3A_1702 = arith.index_cast %mul3A_1699 : i32 to index
      %swap3A_1703 = tpu.vector_load %arg6[%swap3A_1701, %swap3A_1702] {strides = array<i32>} : memref<8x512xf32, #tpu.memory_space<vmem>>, vector<16xf32>,
      tpu.vector_store %arg6[%swap3A_1701, %swap3A_1702], %add3A_1656 {strides = array<i32>} : memref<8x512xf32, #tpu.memory_space<vmem>>, vector<16xf32>,
    }
    %scan3A_81 = arith.constant 32 : i32
    "tpu.region"() ({
      %run_scoped3A = tpu.sem_alloc : memref<!tpu.dma_semaphore, #tpu.memory_space<semaphore_mem>>
      %dma_start3A = arith.constant 0 : i32
      %dma_start3A_82 = tpu.memref_slice %arg4[%dma_start3A, %mul3A_2] : memref<8x16384xf32, #tpu.memory_space<hbm>> -> memref<8x512xf32, #tpu.memory_space<hbm>>
      %dma_start3A_83 = arith.constant 0 : i32
      %dma_start3A_84 = tpu.memref_slice %arg4[%dma_start3A_83, %mul3A_2] : memref<8x16384xf32, #tpu.memory_space<hbm>> -> memref<8x512xf32, #tpu.memory_space<hbm>>
      tpu.enqueue_dma source(%arg6 : memref<8x512xf32, #tpu.memory_space<vmem>>) target(%dma_start3A_84 : memref<8x512xf32, #tpu.memory_space<hbm>>) target_semaphore(%run_scoped3A : memref<!tpu.dma_semaphore, #tpu.memory_space<semaphore_mem>>)
      %dma_wait3A = arith.constant 0 : i32
      %dma_wait3A_85 = tpu.memref_slice %arg4[%dma_wait3A, %mul3A_2] : memref<8x16384xf32, #tpu.memory_space<hbm>> -> memref<8x512xf32, #tpu.memory_space<hbm>>
      %dma_wait3A_86 = arith.constant 0 : i32
      %dma_wait3A_87 = tpu.memref_slice %arg4[%dma_wait3A_86, %mul3A_2] : memref<8x16384xf32, #tpu.memory_space<hbm>> -> memref<8x512xf32, #tpu.memory_space<hbm>>
      tpu.wait_dma2 semaphore(%run_scoped3A : memref<!tpu.dma_semaphore, #tpu.memory_space<semaphore_mem>>) src(%arg6 : memref<8x512xf32, #tpu.memory_space<vmem>>) dst(%dma_wait3A_87 : memref<8x512xf32, #tpu.memory_space<hbm>>)
      tpu.yield
    }) : () -> ()
    return
  }
}

</mosaic_0001>

<sc_bundles>
// kernel: kernel.3.cloned.1.call-start
scs
__scs_entry_jumppad:
0x0: {  	(pc) =	sbr.rel $0x88, $3  }
0x1: {  	(tag) =	ssettag $0x0;
	lr =	simm.s32 $0x1  }
0x2: {  	[smem:$0x3F9D] =	sst lr;
	_ =	strace $0xD0000000  }
0x3: {  	_ = 	snop  }
0x4: {  	_ = 	snop  }
0x5: {  	_ = 	snop  }
0x6: {  	_ = 	snop  }
0x7: {  	_ = 	snop  }
__scs_overlays_trampoline_lowered:
0x8: {  	[smem:$0x3FAC] =	sst s0  }
0x9: {  	[smem:$0x3FAD] =	sst s1  }
0xa: {  	[smem:$0x3FAE] =	sst s2  }
0xb: {  	[smem:$0x3FAF] =	sst s3  }
0xc: {  	[smem:$0x3FB0] =	sst s4  }
0xd: {  	[smem:$0x3FB1] =	sst s5  }
0xe: {  	[smem:$0x3FB2] =	sst s6  }
0xf: {  	[smem:$0x3FB3] =	sst s7  }
0x10: {  	[smem:$0x3FB4] =	sst s8  }
0x11: {  	[smem:$0x3FB5] =	sst s9;
	s0 =	simm.s32 @!p0 $0x0  }
0x12: {  	s1 =	sld [smem:$0x3F9B];
	s0 =	simm.s32 @p0 $0x1  }
0x13: {  	[smem:$0x3FB6] =	sst s0;
	s0 =	simm.s32 @!p1 $0x0  }
0x14: {  	s2 =	sld [smem:$0x3F9A];
	s0 =	simm.s32 @p1 $0x1  }
0x15: {  	[smem:$0x3FB7] =	sst s0;
	s0 =	simm.s32 @!p2 $0x0  }
0x16: {  	s3 =	sld [smem:$0x3FDB];
	s0 =	simm.s32 @p2 $0x1  }
0x17: {  	s4 =	simm.s32 $0x1BF5;
	[smem:$0x3FB9] =	sst s0  }
0x18: {  	s0 =	sld [smem:$0x3F9C];
	_ =	swait.ge [sflag:s4], $0x0  }
0x19: {  	s7 =	sld [smem:$0x3F9D]  }
0x1a: {  	s8 =	sadd.s32 $0xFFFFE003, lr  }
0x1b: {  	s9 =	sadd.s32 $0xFFFFFEF7, lr;
	s5 =	simm.s32 $0xFFFFFFFF;
	p2 =	slt.u32 s8, $0xFFFFF086  }
0x1c: {  	p1 =	slt.u32 s9, $0xF7A;
	s5 =	simm.s32 @!p2 $0x0  }
0x1d: {  	s5 =	simm.s32 @p1 $0x1;
	p0 =	seq.s32 s7, s2  }
0x1e: {  	s7 =	smul.u32 @!p0 $0xF7A, s2;
	p2 =	seq.s32 @!p0 s5, $0x0  }
0x1f: {  	s9 =	smul.u32 $0xF7A, s1;
	s8 =	simm.s32 @!p0 $0x1BF5;
	p2 =	por !p2, p0  }
0x20: {  	[sflag:s8] =	ssyncset.s32 @!p0 $0xFFFFF086;
	s6 =	sadd.s32 @!p0 s3, s7;
	s7 =	simm.s32 @!p0 $0x108  }
0x21: {  	s3 =	sadd.s32 s3, s9;
	s6 =	sadd.s32 @!p0 $0x88, s6;
	s7 =	simm.s32 @p2 $0x1082  }
0x22: {  	[simem:s7], [sflag:s8] =	dma.local @!p0 [hbm:s6], $0xF7A  }
0x23: {  	s9 =	sor.u32 $0xD0000000, s2;
	s6 =	simm.s32 $0x108;
	_ =	swait.ge @!p0 [sflag:s8], $0x0  }
0x24: {  	s3 =	sadd.s32 $0x88, s3;
	s6 =	simm.s32 @!p1 $0x1082;
	[sflag:s4] =	ssyncset.s32 $0xFFFFF086  }
0x25: {  	[simem:s6], [sflag:s4] =	dma.local [hbm:s3], $0xF7A  }
0x26: {  	[smem:$0x3F9D] =	sst s1;
	(tag) =	ssettag s2;
	_ =	strace s9  }
0x27: {  	s1 =	sld [smem:$0x3FAD]  }
0x28: {  	s2 =	sld [smem:$0x3FAE]  }
0x29: {  	s4 =	sld [smem:$0x3FB0]  }
0x2a: {  	p0 =	seq.s32 s5, $0x0;
	s5 =	sld [smem:$0x3FB1]  }
0x2b: {  	s6 =	sld [smem:$0x3FB2]  }
0x2c: {  	s7 =	sld [smem:$0x3FB3]  }
0x2d: {  	s3 =	simm.s32 $0x108;
	s8 =	sld [smem:$0x3FB4]  }
0x2e: {  	s3 =	simm.s32 @!p0 $0x1082;
	s9 =	sld [smem:$0x3FB5]  }
0x2f: {  	lr =	sadd.s32 s0, s3;
	s0 =	sld [smem:$0x3FAC]  }
0x30: {  	s3 =	sld [smem:$0x3FAF]  }
0x31: {  	[smem:$0x3FB8] =	sst s10  }
0x32: {  	s10 =	sld [smem:$0x3FB6];
	_ =	sdelay $0x3  }
0x33: {  	p0 =	seq.s32 s10, $0x1;
	s10 =	sld [smem:$0x3FB8];
	_ =	sdelay $0x3  }
0x34: {  	[smem:$0x3FB8] =	sst s10  }
0x35: {  	s10 =	sld [smem:$0x3FB7];
	_ =	sdelay $0x3  }
0x36: {  	p1 =	seq.s32 s10, $0x1;
	s10 =	sld [smem:$0x3FB8];
	_ =	sdelay $0x3  }
0x37: {  	[smem:$0x3FB8] =	sst s10  }
0x38: {  	s10 =	sld [smem:$0x3FB9]  }
0x39: {  	_ = 	snop;
	(pc) =	sbr.ind lr, $3  }
0x3a: {  	_ = 	snop  }
0x3b: {  	_ = 	snop  }
0x3c: {  	p2 =	seq.s32 s10, $0x1;
	s10 =	sld [smem:$0x3FB8]  }
0x3d: {  	_ =	shalt  }
0x3e: {  	_ =	shalt  }
0x3f: {  	_ =	shalt  }
0x40: {  	_ =	shalt  }
0x41: {  	_ =	shalt  }
0x42: {  	_ =	shalt  }
0x43: {  	_ =	shalt  }
0x44: {  	_ =	shalt  }
0x45: {  	_ =	shalt  }
0x46: {  	_ =	shalt  }
0x47: {  	_ =	shalt  }
0x48: {  	_ =	shalt  }
0x49: {  	_ =	shalt  }
0x4a: {  	_ =	shalt  }
0x4b: {  	_ =	shalt  }
0x4c: {  	_ =	shalt  }
0x4d: {  	_ =	shalt  }
0x4e: {  	_ =	shalt  }
0x4f: {  	_ =	shalt  }
0x50: {  	_ =	shalt  }
0x51: {  	_ =	shalt  }
0x52: {  	_ =	shalt  }
0x53: {  	_ =	shalt  }
0x54: {  	_ =	shalt  }
0x55: {  	_ =	shalt  }
0x56: {  	_ =	shalt  }
0x57: {  	_ =	shalt  }
0x58: {  	_ =	shalt  }
0x59: {  	_ =	shalt  }
0x5a: {  	_ =	shalt  }
0x5b: {  	_ =	shalt  }
0x5c: {  	_ =	shalt  }
0x5d: {  	_ =	shalt  }
0x5e: {  	_ =	shalt  }
0x5f: {  	_ =	shalt  }
0x60: {  	_ =	shalt  }
0x61: {  	_ =	shalt  }
0x62: {  	_ =	shalt  }
0x63: {  	_ =	shalt  }
0x64: {  	_ =	shalt  }
0x65: {  	_ =	shalt  }
0x66: {  	_ =	shalt  }
0x67: {  	_ =	shalt  }
0x68: {  	_ =	shalt  }
0x69: {  	_ =	shalt  }
0x6a: {  	_ =	shalt  }
0x6b: {  	_ =	shalt  }
0x6c: {  	_ =	shalt  }
0x6d: {  	_ =	shalt  }
0x6e: {  	_ =	shalt  }
0x6f: {  	_ =	shalt  }
0x70: {  	_ =	shalt  }
0x71: {  	_ =	shalt  }
0x72: {  	_ =	shalt  }
0x73: {  	_ =	shalt  }
0x74: {  	_ =	shalt  }
0x75: {  	_ =	shalt  }
0x76: {  	_ =	shalt  }
0x77: {  	_ =	shalt  }
0x78: {  	_ =	shalt  }
0x79: {  	_ =	shalt  }
0x7a: {  	_ =	shalt  }
0x7b: {  	_ =	shalt  }
0x7c: {  	_ =	shalt  }
0x7d: {  	_ =	shalt  }
0x7e: {  	_ =	shalt  }
0x7f: {  	_ =	shalt  }
0x80: {  	_ =	shalt  }
0x81: {  	_ =	shalt  }
0x82: {  	_ =	shalt  }
0x83: {  	_ =	shalt  }
0x84: {  	_ =	shalt  }
0x85: {  	_ =	shalt  }
0x86: {  	_ =	shalt  }
0x87: {  	_ =	shalt  }
.Lfunc_end0:
.L_simem_size_0:
called_computation_lowered:
.L_overlay_start_0:
0x88: {  	s2 =	sld [smem:$0x3FD9]  }
0x89: {  	s3 =	sld [smem:$0x3FFE];
	_ =	sdelay $0x1  }
0x8a: {  	s1 =	srdreg.scid  }
0x8b: {  	s0 =	sand.u32 $0x1, s1  }
0x8c: {  	s17 =	sshll.u32 s0, $0xA;
	s2 =	sadd.s32 s3, s2  }
0x8d: {  	s2 =	sadd.s32 s2, s17  }
0x8e: {  	[smem:$0x3FC4] =	sst s2  }
0x8f: {  	_ = 	snop  }
0x90: {  	s2 =	sld [smem:$0x3FC9]  }
0x91: {  	s18 =	sld [smem:$0x3FD0];
	(tm) =	ssettm $0x1  }
0x92: {  	s4 =	sld [smem:$0x3FFB];
	_ =	sdelay $0x3  }
0x93: {  	_ =	strace s4  }
0x94: {  	s4 =	sld [smem:$0x3FFC];
	_ =	sdelay $0x3  }
0x95: {  	_ =	strace s4  }
0x96: {  	s4 =	sld [smem:$0x3FFD];
	_ =	sdelay $0x3  }
0x97: {  	_ =	strace s4  }
0x98: {  	_ =	strace $0x8FFFFFFF  }
0x99: {  	s19 =	sld [smem:$0x3FDB];
	_ =	sdelay $0x1  }
0x9a: {  	s5 =	simm.s32 $_scs_section_size  }
0x9b: {  	s6 =	simm.s32 $_size__tile_overlayer_lowered;
	s7 =	simm.s32 $_tile_overlayer_lowered  }
0x9c: {  	s22 =	simm.s32 $0x1BFF;
	s21 =	sshll.u32 s7, $0x1;
	s4 =	sadd.s32 s5, s19  }
0x9d: {  	s8 =	simm.s32 $0x0;
	s20 =	sshll.u32 s6, $0x1;
	s6 =	sadd.s32 s21, s4  }
0x9e: {  	[timem:s8], [sflag:s22] =	dma.local [hbm:s6], s20  }
0x9f: {  	_ =	swait.ge [sflag:s22], s20  }
0xa0: {  	s5 =	ssub.s32 $0x0, s20;
	[sflag:s22] =	ssyncset.done $0x0  }
0xa1: {  	[sflag:s22] =	ssyncadd.s32 s5;
	_ =	sdelay $0x1  }
0xa2: {  	s23 =	simm.s32 $0x1B8B  }
0xa3: {  	_ =	swait.ge [sflag:s23], $0x1  }
0xa4: {  	[sflag:s23] =	ssyncset.done $0x0  }
0xa5: {  	s25 =	simm.s32 $0x1B8E;
	s24 =	sld [smem:$0x3FFE];
	[sflag:s23] =	ssyncadd.s32 $0xFFFFFFFF  }
0xa6: {  	s26 =	simm.s32 $execute0_lowered;
	[smem:$0x3FD2] =	sst s25  }
0xa7: {  	s6 =	sshll.u32 s26, $0x1;
	_ =	strace $0x80000046;
	[dreg:$0x1] =	wrdreg $0xFFFFFFFF  }
0xa8: {  	s28 =	simm.s32 $_size_execute0_lowered;
	s4 =	sadd.s32 s4, s6;
	[dreg:$0x0] =	wrdreg $0x0  }
0xa9: {  	s6 =	sshll.u32 s28, $0x1;
	[dreg:$0x2] =	wrdreg s4  }
0xaa: {  	[dreg:$0x3] =	wrdreg s6  }
0xab: {  	[dreg:$0x4] =	wrdreg $0xC0  }
0xac: {  	_ =	task [dreg:s8], $0x5FFFF  }
0xad: {  	[dreg:$0x1] =	wrdreg $0xFFFFFFFF  }
0xae: {  	[dreg:$0x0] =	wrdreg $0x60  }
0xaf: {  	[dreg:$0x2] =	wrdreg s2  }
0xb0: {  	[dreg:$0x3] =	wrdreg s18  }
0xb1: {  	[dreg:$0x4] =	wrdreg s24  }
0xb2: {  	[dreg:$0x5] =	wrdreg $0x9  }
0xb3: {  	_ =	task.clear_ibuf [dreg:s8], $0x6FFFF;
	_ =	strace $0x90000046  }
0xb4: {  	s29 =	simm.s32 $0x9;
	_ =	strace $0x80000048  }
0xb5: {  	_ =	swait.ge [sflag:s29], $0x1  }
0xb6: {  	[sflag:s29] =	ssyncadd.s32 $0xFFFFFFFF  }
0xb7: {  	_ =	strace $0x90000048  }
0xb8: {  	_ =	sfence  }
0xb9: {  	s30 =	sld [smem:$0x0];
	_ =	sdelay $0x2  }
0xba: {  	s31 =	sshll.u32 s1, $0xD;
	s1 =	sshrl.u32 s1, $0x2  }
0xbb: {  	s3 =	sand.u32 $0x4000, s31;
	s1 =	sadd.s32 s1, s30  }
0xbc: {  	s0 =	sor.u32 s3, s0;
	s1 =	sshll.u32 s1, $0x11  }
0xbd: {  	s0 =	sor.u32 s1, s0  }
0xbe: {  	s0 =	sadd.s32 $0x8F2B, s0  }
0xbf: {  	[sflag:s0] =	ssyncadd.remote.s32 $0x1  }
0xc0: {  	_ =	sfence.sel $0xFFFF  }
0xc1: {  	[dreg:$0x0] =	wrdreg $0xFFFFFFFF;
	(pc) =	sbr.abs _section_cstart, $3  }
0xc2: {  	[dreg:$0x1] =	wrdreg $0xFFFFFFFF  }
0xc3: {  	_ =	task.clear_ibuf [dreg:s8], $0x2FFFF;
	_ =	strace $0x9FFFFFFF  }
0xc4: {  	(tm) =	ssettm $0x7FFFFFFF  }
0xc5: {  	_ =	shalt  }
tec
execute0_lowered:
.L_overlay_start_1:
0x0: {  	(tag) =	ssettag $0x1  }
0x1: {  	s4 =	rddreg [dreg:$0x0]  }
0x2: {  	s1 =	rddreg [dreg:$0x1]  }
0x3: {  	s5 =	rddreg [dreg:$0x2]  }
0x4: {  	s0 =	rddreg [dreg:$0x3];
	s3 =	simm.s32 $0x0;
	s6 =	srdreg.scid  }
0x5: {  	s2 =	stileid.u32;
	s9 =	simm.s32 $0x1000;
	s10 =	simm.s32 $0x0  }
0x6: {  	[smem:$0x7FF] =	sst s3;
	s6 =	sand.u32 $0x1, s6;
	s7 =	sshll.u32 s2, $0xA  }
0x7: {  	s8 =	sshll.u32 s6, $0x9;
	s6 =	ssub.s32 $0x2, s6;
	_ =	strace $0x80000047  }
0x8: {  	s7 =	sor.u32 s8, s7;
	s31 =	sshrl.u32 s6, $0x1;
	s8 =	simm.s32 $0x2000  }
0x9: {  	s5 =	sadd.s32 s7, s5;
	s6 =	ssub.s32 s6, s31;
	s4 =	sadd.s32 s4, s7  }
0xa: {  	s7 =	simm.s32 $0x1;
	s5 =	sadd.s32 $0xA00, s5;
	s6 =	smax.u32 s6, $0x1  }
.LBB2_1:
0xb: {  	[tilespmem:s3], [sflag:$0x1] =	stream.linear.gather [hbm4b:s4+s3], $0x1000, $0x38;
	[tilespmem:$0x3400] =	vst v63  }
0xc: {  	_ =	swait.ge [sflag:s7], $0x1000  }
0xd: {  	[sflag:s7] =	ssyncset.done $0x0  }
0xe: {  	[sflag:s7] =	ssyncadd.s32 $0xFFFFF000  }
0xf: {  	[tilespmem:s8], [sflag:$0x1] =	stream.linear.gather [hbm4b:s1+s3], $0x1380, $0x38;
	[tilespmem:$0x3400] =	vst v63  }
0x10: {  	_ =	swait.ge [sflag:s7], $0x1380  }
0x11: {  	[sflag:s7] =	ssyncset.done $0x0  }
0x12: {  	[sflag:s7] =	ssyncadd.s32 $0xFFFFEC80  }
0x13: {  	v6 =	vld [tilespmem:$0x2400]  }
0x14: {  	v7 =	vld [tilespmem:$0x2480]  }
0x15: {  	v8 =	vld [tilespmem:$0x2500];
	_ =	sdelay $0x1  }
0x16: {  	v0 =	vld [tilespmem:$0x2000]  }
0x17: {  	v1 =	vld [tilespmem:$0x2080]  }
0x18: {  	v2 =	vld [tilespmem:$0x2100]  }
0x19: {  	v3 =	vld [tilespmem:$0x2180];
	v5 =	vshrl.u32 v6, $0x10;
	v9 =	vshrl.u32 v7, $0x10;
	v10 =	vshrl.u32 v8, $0x10  }
0x1a: {  	v4 =	vld [tilespmem:$0x2200];
	v11 =	vand.u32 $0x1, v5;
	v9 =	vand.u32 $0x1, v9;
	v10 =	vand.u32 $0x1, v10  }
0x1b: {  	v5 =	vld [tilespmem:$0x2280];
	v11 =	vadd.s32 v11, v6;
	v7 =	vadd.s32 v9, v7;
	v8 =	vadd.s32 v10, v8  }
0x1c: {  	v6 =	vld [tilespmem:$0x2300];
	v9 =	vadd.s32 $0x7FFF, v11;
	v10 =	vadd.s32 $0x7FFF, v7;
	v11 =	vadd.s32 $0x7FFF, v8  }
0x1d: {  	s11 =	simm.s32 $0x0;
	s12 =	simm.s32 $0x0;
	v7 =	vld [tilespmem:$0x2380];
	v8 =	vand.u32 $0xFFFF0000, v9;
	v9 =	vand.u32 $0xFFFF0000, v10;
	v10 =	vand.u32 $0xFFFF0000, v11  }
.LBB2_2:
0x1e: {  	s13 =	sand.u32 $0x70, s12;
	s14 =	sand.u32 $0xC00, s11  }
0x1f: {  	s13 =	sor.u32 s13, s14  }
0x20: {  	v11 =	vld [tilespmem:s13+$0x0]  }
0x21: {  	v12 =	vld [tilespmem:s13+$0x80]  }
0x22: {  	s14 =	sor.u32 s14, s12;
	v13 =	vld [tilespmem:s13+$0x100]  }
0x23: {  	s14 =	sor.u32 $0x180, s14;
	v28 =	vld [tilespmem:s13+$0x200]  }
0x24: {  	v14 =	vld [tilespmem:s14+$0x0];
	_ =	sdelay $0x2  }
0x25: {  	s15 =	sor.u32 s11, s12;
	v11 =	vmul.f32 v11, v0  }
0x26: {  	s15 =	sor.u32 $0x380, s15;
	v12 =	vmul.f32 v12, v1;
	v13 =	vmul.f32 v13, v2  }
0x27: {  	v20 =	vmul.f32 v28, v4;
	v28 =	vld [tilespmem:s15+$0x0];
	v14 =	vmul.f32 v14, v3  }
0x28: {  	v29 =	vld [tilespmem:s13+$0x280];
	v15 =	vshrl.u32 v11, $0x10;
	v16 =	vshrl.u32 v12, $0x10  }
0x29: {  	v30 =	vshrl.u32 v13, $0x10;
	v15 =	vand.u32 $0x1, v15;
	v17 =	vshrl.u32 v14, $0x10  }
0x2a: {  	v32 =	vshrl.u32 v20, $0x10;
	v11 =	vadd.s32 v15, v11;
	v18 =	vand.u32 $0x1, v17  }
0x2b: {  	v16 =	vand.u32 $0x1, v16;
	v11 =	vadd.s32 $0x7FFF, v11;
	v31 =	vadd.s32 v18, v14  }
0x2c: {  	v34 =	vld [tilespmem:s13+$0x300];
	v43 =	vmul.f32 v28, v7;
	v19 =	vand.u32 $0xFFFF0000, v11;
	v11 =	vadd.s32 v16, v12  }
0x2d: {  	v14 =	vand.u32 $0x1, v32;
	v12 =	vmul.f32 v29, v5;
	v11 =	vadd.s32 $0x7FFF, v11  }
0x2e: {  	v16 =	vand.u32 $0x1, v30;
	v47 =	vshrl.u32 v43, $0x10;
	v17 =	vand.u32 $0xFFFF0000, v11  }
0x2f: {  	v11 =	vadd.s32 v16, v13;
	v13 =	vadd.s32 $0x7FFF, v31;
	v35 =	vshrl.u32 v12, $0x10  }
0x30: {  	v50 =	vand.u32 $0x1, v47;
	v11 =	vadd.s32 $0x7FFF, v11;
	v33 =	vsub.f32 v19, v17  }
0x31: {  	v15 =	vand.u32 $0xFFFF0000, v13;
	v13 =	vmul.f32 v34, v6;
	v16 =	vand.u32 $0xFFFF0000, v11  }
0x32: {  	v11 =	vadd.s32 v14, v20;
	v14 =	vand.u32 $0x1, v35;
	v52 =	vsub.f32 v19, v15  }
0x33: {  	v36 =	vand.u32 $0x7FFFFFFF, v33;
	v21 =	vmul.f32 v33, v33;
	v11 =	vadd.s32 $0x7FFF, v11  }
0x34: {  	v12 =	vadd.s32 v14, v12;
	v23 =	vsub.f32 v19, v16;
	v40 =	vshrl.u32 v13, $0x10  }
0x35: {  	v18 =	vand.u32 $0x80000000, v33;
	v22 =	vshrl.u32 v36, $0x10;
	v55 =	vand.u32 $0x7FFFFFFF, v52  }
0x36: {  	v56 =	vmul.f32 v52, v52;
	v37 =	vand.u32 $0x1, v22;
	v38 =	vshrl.u32 v21, $0x10  }
0x37: {  	v20 =	vmul.f32 v36, v21;
	v24 =	vmul.f32 v23, v23;
	v41 =	vand.u32 $0x7FFFFFFF, v23  }
0x38: {  	v54 =	vand.u32 $0x80000000, v23;
	v58 =	vshrl.u32 v55, $0x10;
	v14 =	vadd.s32 v37, v36  }
0x39: {  	v22 =	vand.u32 $0x1, v38;
	v25 =	vshrl.u32 v41, $0x10;
	v59 =	vshrl.u32 v56, $0x10  }
0x3a: {  	v60 =	vmul.f32 v55, v56;
	v14 =	vadd.s32 $0x7FFF, v14;
	v21 =	vadd.s32 v22, v21  }
0x3b: {  	v39 =	vshrl.u32 v20, $0x10;
	v26 =	vshrl.u32 v24, $0x10;
	v27 =	vmul.f32 v41, v24  }
0x3c: {  	v25 =	vand.u32 $0x1, v25;
	v61 =	vand.u32 $0x1, v59;
	v14 =	vand.u32 $0xFFFF0000, v14  }
0x3d: {  	v21 =	vadd.s32 $0x7FFF, v21;
	v22 =	vand.u32 $0x1, v39;
	v26 =	vand.u32 $0x1, v26  }
0x3e: {  	v62 =	vshrl.u32 v60, $0x10;
	v21 =	vand.u32 $0xFFFF0000, v21;
	v14 =	vmul.f32 v14, v8  }
0x3f: {  	v20 =	vadd.s32 v22, v20;
	v24 =	vadd.s32 v26, v24;
	v42 =	vshrl.u32 v27, $0x10  }
0x40: {  	v22 =	vand.u32 $0x1, v40;
	v23 =	vand.u32 $0x1, v62;
	v21 =	vmul.f32 v21, v9  }
0x41: {  	v20 =	vadd.s32 $0x7FFF, v20;
	v24 =	vadd.s32 $0x7FFF, v24;
	v46 =	vadd.s32 v22, v13  }
0x42: {  	v23 =	vadd.s32 v23, v60;
	v20 =	vand.u32 $0xFFFF0000, v20;
	v24 =	vand.u32 $0xFFFF0000, v24  }
0x43: {  	v23 =	vadd.s32 $0x7FFF, v23;
	v14 =	vadd.f32 v21, v14;
	v20 =	vmul.f32 v20, v10  }
0x44: {  	v21 =	vadd.s32 v25, v41;
	v25 =	vand.u32 $0x1, v42;
	v24 =	vmul.f32 v24, v9  }
0x45: {  	v23 =	vand.u32 $0xFFFF0000, v23;
	v21 =	vadd.s32 $0x7FFF, v21;
	v25 =	vadd.s32 v25, v27  }
0x46: {  	v35 =	vmul.f32 v23, v10;
	v21 =	vand.u32 $0xFFFF0000, v21;
	v25 =	vadd.s32 $0x7FFF, v25  }
0x47: {  	v20 =	vadd.f32 v20, v14;
	v14 =	vand.u32 $0xFFFF0000, v11;
	v11 =	vadd.s32 $0x7FFF, v12  }
0x48: {  	v12 =	vadd.s32 v50, v43;
	v21 =	vmul.f32 v21, v8;
	v25 =	vand.u32 $0xFFFF0000, v25  }
0x49: {  	v13 =	vand.u32 $0xFFFF0000, v11;
	v11 =	vadd.s32 $0x7FFF, v46;
	v12 =	vadd.s32 $0x7FFF, v12  }
0x4a: {  	v44 =	vld [tilespmem:$0x2580];
	v63 =	vsub.f32 v19, v14;
	v45 =	vmul.f32 v25, v10;
	v48 =	vmul.f32 $9.999999770e-03, v20  }
0x4b: {  	v11 =	vand.u32 $0xFFFF0000, v11;
	v12 =	vand.u32 $0xFFFF0000, v12;
	v40 =	vsub.f32 v19, v13  }
0x4c: {  	v25 =	vand.u32 $0x80000000, v52;
	v21 =	vadd.f32 v24, v21;
	v33 =	vand.u32 $0x7FFFFFFF, v63  }
0x4d: {  	v34 =	vmul.f32 v63, v63;
	v52 =	vsub.f32 v19, v11;
	v20 =	vmax.f32 v20, v48  }
0x4e: {  	v36 =	vshrl.u32 v33, $0x10;
	v42 =	vmul.f32 v40, v40;
	v28 =	vand.u32 $0x80000000, v40  }
0x4f: {  	v21 =	vadd.f32 v45, v21;
	v20 =	vmul.f32 v20, v44;
	v23 =	vand.u32 $0x1, v36  }
0x50: {  	v29 =	vshrl.u32 v34, $0x10;
	v30 =	vmul.f32 v33, v34;
	v44 =	vand.u32 $0x7FFFFFFF, v40  }
0x51: {  	v59 =	vand.u32 $0x7FFFFFFF, v52;
	v37 =	vadd.s32 v23, v33;
	v38 =	vand.u32 $0x1, v29  }
0x52: {  	v31 =	vshrl.u32 v44, $0x10;
	v32 =	vshrl.u32 v42, $0x10;
	v33 =	vmul.f32 v44, v42  }
0x53: {  	v49 =	vld [tilespmem:$0x2600];
	v60 =	vshrl.u32 v59, $0x10;
	v51 =	vmul.f32 $9.999999770e-03, v21;
	v23 =	vadd.s32 v38, v34  }
0x54: {  	v39 =	vshrl.u32 v30, $0x10;
	v45 =	vand.u32 $0x1, v31;
	v46 =	vand.u32 $0x1, v32  }
0x55: {  	v23 =	vadd.s32 $0x7FFF, v23;
	v26 =	vand.u32 $0x1, v39;
	v48 =	vadd.s32 v46, v42  }
0x56: {  	v39 =	vand.u32 $0x80000000, v52;
	v22 =	vmax.f32 v21, v51;
	v21 =	vxor.u32 v20, v18  }
0x57: {  	v18 =	vand.u32 $0x1, v58;
	v23 =	vand.u32 $0xFFFF0000, v23;
	v26 =	vadd.s32 v26, v30  }
0x58: {  	v53 =	vmul.f32 v22, v49;
	v57 =	vsub.f32 $0.0e+00, v21;
	v18 =	vadd.s32 v18, v55  }
0x59: {  	v22 =	vadd.s32 v61, v56;
	v23 =	vmul.f32 v23, v9;
	v26 =	vadd.s32 $0x7FFF, v26  }
0x5a: {  	v49 =	vshrl.u32 v33, $0x10;
	v18 =	vadd.s32 $0x7FFF, v18;
	v22 =	vadd.s32 $0x7FFF, v22  }
0x5b: {  	v56 =	vand.u32 $0x80000000, v63;
	v18 =	vand.u32 $0xFFFF0000, v18;
	v22 =	vand.u32 $0xFFFF0000, v22  }
0x5c: {  	v26 =	vand.u32 $0xFFFF0000, v26;
	v18 =	vmul.f32 v18, v8;
	v22 =	vmul.f32 v22, v9  }
0x5d: {  	v30 =	vand.u32 $0x1, v49;
	v20 =	vxor.u32 v53, v54;
	v43 =	vmul.f32 v26, v10  }
0x5e: {  	v26 =	vadd.s32 $0x7FFF, v48;
	v18 =	vadd.f32 v22, v18;
	v22 =	vadd.s32 $0x7FFF, v37  }
0x5f: {  	v30 =	vadd.s32 v30, v33;
	v24 =	vsub.f32 v57, v20;
	v22 =	vand.u32 $0xFFFF0000, v22  }
0x60: {  	v26 =	vand.u32 $0xFFFF0000, v26;
	v30 =	vadd.s32 $0x7FFF, v30;
	v22 =	vmul.f32 v22, v8  }
0x61: {  	v47 =	vld [tilespmem:$0x2680];
	v57 =	vmul.f32 v52, v52;
	v52 =	vsub.f32 v17, v15;
	v18 =	vadd.f32 v35, v18  }
0x62: {  	v26 =	vmul.f32 v26, v9;
	v22 =	vadd.f32 v23, v22;
	v23 =	vadd.s32 v45, v44  }
0x63: {  	v30 =	vand.u32 $0xFFFF0000, v30;
	v41 =	vmul.f32 $9.999999770e-03, v18;
	v23 =	vadd.s32 $0x7FFF, v23  }
0x64: {  	v50 =	vld [tilespmem:$0x2700];
	v30 =	vmul.f32 v30, v10;
	v22 =	vadd.f32 v43, v22;
	v23 =	vand.u32 $0xFFFF0000, v23  }
0x65: {  	v62 =	vmul.f32 v59, v57;
	v18 =	vmax.f32 v18, v41;
	v23 =	vmul.f32 v23, v8  }
0x66: {  	v61 =	vshrl.u32 v57, $0x10;
	v18 =	vmul.f32 v18, v47;
	v51 =	vmul.f32 $9.999999770e-03, v22  }
0x67: {  	v31 =	vand.u32 $0x1, v61;
	v33 =	vshrl.u32 v62, $0x10;
	v23 =	vadd.f32 v26, v23  }
0x68: {  	v26 =	vxor.u32 v18, v25;
	v25 =	vadd.s32 v31, v57;
	v22 =	vmax.f32 v22, v51  }
0x69: {  	v55 =	vsub.f32 v24, v26;
	v25 =	vadd.s32 $0x7FFF, v25;
	v53 =	vmul.f32 v22, v50  }
0x6a: {  	v54 =	vadd.f32 v30, v23;
	v30 =	vand.u32 $0x1, v60;
	v25 =	vand.u32 $0xFFFF0000, v25  }
0x6b: {  	v63 =	vld [tilespmem:$0x2780];
	v27 =	vadd.s32 v30, v59;
	v30 =	vand.u32 $0x1, v33;
	v25 =	vmul.f32 v25, v9  }
0x6c: {  	v18 =	vxor.u32 v53, v56;
	v58 =	vmul.f32 $9.999999770e-03, v54;
	v27 =	vadd.s32 $0x7FFF, v27  }
0x6d: {  	v30 =	vadd.s32 v30, v62;
	v62 =	vsub.f32 v17, v14;
	v27 =	vand.u32 $0xFFFF0000, v27  }
0x6e: {  	v30 =	vadd.s32 $0x7FFF, v30;
	v35 =	vsub.f32 v55, v18;
	v55 =	vmul.f32 v52, v52  }
0x6f: {  	v22 =	vmax.f32 v54, v58;
	v27 =	vmul.f32 v27, v8;
	v34 =	vand.u32 $0xFFFF0000, v30  }
0x70: {  	v54 =	vand.u32 $0x7FFFFFFF, v52;
	v22 =	vmul.f32 v22, v63;
	v24 =	vmul.f32 v34, v10  }
0x71: {  	v57 =	vshrl.u32 v54, $0x10;
	v58 =	vshrl.u32 v55, $0x10;
	v25 =	vadd.f32 v25, v27  }
0x72: {  	v63 =	vmul.f32 v62, v62;
	v27 =	vsub.f32 v19, v12;
	v59 =	vand.u32 $0x1, v58  }
0x73: {  	v22 =	vxor.u32 v22, v28;
	v28 =	vand.u32 $0x80000000, v52;
	v36 =	vadd.f32 v24, v25  }
0x74: {  	v37 =	vand.u32 $0x7FFFFFFF, v27;
	v38 =	vmul.f32 v27, v27;
	v19 =	vsub.f32 v35, v22  }
0x75: {  	v35 =	vmul.f32 v54, v55;
	v27 =	vand.u32 $0x80000000, v27;
	v40 =	vshrl.u32 v37, $0x10  }
0x76: {  	v41 =	vmul.f32 $9.999999770e-03, v36;
	v29 =	vand.u32 $0x1, v40;
	v42 =	vshrl.u32 v38, $0x10  }
0x77: {  	v43 =	vld [tilespmem:$0x2800];
	v24 =	vmul.f32 v37, v38;
	v60 =	vshrl.u32 v35, $0x10;
	v40 =	vand.u32 $0x7FFFFFFF, v62  }
0x78: {  	v29 =	vadd.s32 v29, v37;
	v31 =	vand.u32 $0x1, v42;
	v42 =	vshrl.u32 v40, $0x10  }
0x79: {  	v23 =	vmax.f32 v36, v41;
	v29 =	vadd.s32 $0x7FFF, v29;
	v25 =	vadd.s32 v31, v38  }
0x7a: {  	v44 =	vshrl.u32 v24, $0x10;
	v31 =	vsub.f32 v17, v16;
	v41 =	vmul.f32 v40, v63  }
0x7b: {  	v29 =	vand.u32 $0xFFFF0000, v29;
	v25 =	vadd.s32 $0x7FFF, v25;
	v30 =	vand.u32 $0x1, v44  }
0x7c: {  	v23 =	vmul.f32 v23, v43;
	v43 =	vshrl.u32 v63, $0x10;
	v25 =	vand.u32 $0xFFFF0000, v25  }
0x7d: {  	v29 =	vmul.f32 v29, v8;
	v24 =	vadd.s32 v30, v24;
	v45 =	vmul.f32 v31, v31  }
0x7e: {  	v46 =	vand.u32 $0x7FFFFFFF, v31;
	v37 =	vshrl.u32 v41, $0x10;
	v31 =	vand.u32 $0x80000000, v31  }
0x7f: {  	v25 =	vmul.f32 v25, v9;
	v24 =	vadd.s32 $0x7FFF, v24;
	v47 =	vshrl.u32 v46, $0x10  }
0x80: {  	v24 =	vand.u32 $0xFFFF0000, v24;
	v48 =	vshrl.u32 v45, $0x10;
	v34 =	vmul.f32 v46, v45  }
0x81: {  	v32 =	vand.u32 $0x1, v47;
	v29 =	vadd.f32 v25, v29;
	v33 =	vand.u32 $0x1, v48  }
0x82: {  	v24 =	vmul.f32 v24, v10;
	v25 =	vadd.s32 v32, v46;
	v30 =	vadd.s32 v33, v45  }
0x83: {  	v49 =	vshrl.u32 v34, $0x10;
	v25 =	vadd.s32 $0x7FFF, v25;
	v45 =	vand.u32 $0x1, v37  }
0x84: {  	v30 =	vadd.s32 $0x7FFF, v30;
	v32 =	vand.u32 $0x1, v49;
	v25 =	vand.u32 $0xFFFF0000, v25  }
0x85: {  	v24 =	vadd.f32 v24, v29;
	v29 =	vand.u32 $0x1, v57;
	v33 =	vadd.s32 v45, v41  }
0x86: {  	v30 =	vand.u32 $0xFFFF0000, v30;
	v32 =	vadd.s32 v32, v34;
	v50 =	vmul.f32 v25, v8  }
0x87: {  	v25 =	vxor.u32 v23, v39;
	v29 =	vadd.s32 v29, v54;
	v34 =	vand.u32 $0x1, v43  }
0x88: {  	v33 =	vadd.s32 $0x7FFF, v33;
	v54 =	vand.u32 $0x80000000, v62;
	v30 =	vmul.f32 v30, v9  }
0x89: {  	v32 =	vadd.s32 $0x7FFF, v32;
	v19 =	vsub.f32 v19, v25;
	v56 =	vmul.f32 $9.999999770e-03, v24  }
0x8a: {  	v29 =	vadd.s32 $0x7FFF, v29;
	v34 =	vadd.s32 v34, v63;
	v33 =	vand.u32 $0xFFFF0000, v33  }
0x8b: {  	v51 =	vand.u32 $0xFFFF0000, v32;
	v29 =	vand.u32 $0xFFFF0000, v29;
	v32 =	vand.u32 $0x1, v60  }
0x8c: {  	v44 =	vld [tilespmem:$0x2880];
	v34 =	vadd.s32 $0x7FFF, v34;
	v33 =	vmul.f32 v33, v10;
	v60 =	vsub.f32 v17, v11  }
0x8d: {  	v53 =	vadd.f32 v30, v50;
	v23 =	vmul.f32 v51, v10;
	v30 =	vadd.s32 v59, v55  }
0x8e: {  	v32 =	vadd.s32 v32, v35;
	v29 =	vmul.f32 v29, v8;
	v24 =	vmax.f32 v24, v56  }
0x8f: {  	v34 =	vand.u32 $0xFFFF0000, v34;
	v50 =	vsub.f32 v17, v13;
	v17 =	vsub.f32 v17, v12  }
0x90: {  	v35 =	vsub.f32 v16, v13;
	v30 =	vadd.s32 $0x7FFF, v30;
	v32 =	vadd.s32 $0x7FFF, v32  }
0x91: {  	v34 =	vmul.f32 v34, v9;
	v24 =	vmul.f32 v24, v44;
	v63 =	vand.u32 $0x7FFFFFFF, v60  }
0x92: {  	v23 =	vadd.f32 v23, v53;
	v30 =	vand.u32 $0xFFFF0000, v30;
	v32 =	vand.u32 $0xFFFF0000, v32  }
0x93: {  	v61 =	vld [tilespmem:$0x2900];
	v52 =	vand.u32 $0x7FFFFFFF, v50;
	v53 =	vmul.f32 v50, v50;
	v30 =	vmul.f32 v30, v9  }
0x94: {  	v39 =	vmul.f32 v32, v10;
	v24 =	vxor.u32 v24, v27;
	v55 =	vshrl.u32 v52, $0x10  }
0x95: {  	v36 =	vmul.f32 $9.999999770e-03, v23;
	v56 =	vshrl.u32 v53, $0x10;
	v57 =	vmul.f32 v52, v53  }
0x96: {  	v29 =	vadd.f32 v30, v29;
	v30 =	vand.u32 $0x1, v42;
	v58 =	vand.u32 $0x1, v56  }
0x97: {  	v23 =	vmax.f32 v23, v36;
	v30 =	vadd.s32 v30, v40;
	v27 =	vadd.s32 v58, v53  }
0x98: {  	v59 =	vshrl.u32 v57, $0x10;
	v36 =	vshrl.u32 v63, $0x10;
	v23 =	vmul.f32 v23, v61  }
0x99: {  	v29 =	vadd.f32 v39, v29;
	v30 =	vadd.s32 $0x7FFF, v30;
	v27 =	vadd.s32 $0x7FFF, v27  }
0x9a: {  	v61 =	vmul.f32 v60, v60;
	v39 =	vand.u32 $0x1, v36;
	v30 =	vand.u32 $0xFFFF0000, v30  }
0x9b: {  	v46 =	vld [tilespmem:$0x2980];
	v27 =	vand.u32 $0xFFFF0000, v27;
	v47 =	vmul.f32 $9.999999770e-03, v29;
	v30 =	vmul.f32 v30, v8  }
0x9c: {  	v23 =	vxor.u32 v23, v31;
	v31 =	vand.u32 $0x1, v55;
	v27 =	vmul.f32 v27, v9  }
0x9d: {  	v37 =	vshrl.u32 v61, $0x10;
	v38 =	vmul.f32 v63, v61;
	v21 =	vsub.f32 v21, v23  }
0x9e: {  	v23 =	vadd.f32 v23, v20;
	v40 =	vand.u32 $0x1, v37;
	v29 =	vmax.f32 v29, v47  }
0x9f: {  	v30 =	vadd.f32 v34, v30;
	v41 =	vadd.s32 v40, v61;
	v42 =	vshrl.u32 v38, $0x10  }
0xa0: {  	v47 =	vand.u32 $0x7FFFFFFF, v17;
	v29 =	vmul.f32 v29, v46;
	v32 =	vand.u32 $0x1, v42  }
0xa1: {  	v46 =	vmul.f32 v17, v17;
	v17 =	vand.u32 $0x80000000, v17;
	v32 =	vadd.s32 v32, v38  }
0xa2: {  	v49 =	vld [tilespmem:$0x2A00];
	v30 =	vadd.f32 v33, v30;
	v48 =	vxor.u32 v29, v28;
	v32 =	vadd.s32 $0x7FFF, v32  }
0xa3: {  	v29 =	vand.u32 $0x80000000, v50;
	v50 =	vmul.f32 v47, v46;
	v21 =	vsub.f32 v21, v48  }
0xa4: {  	v51 =	vmul.f32 $9.999999770e-03, v30;
	v20 =	vadd.f32 v48, v26;
	v26 =	vadd.s32 v31, v52  }
0xa5: {  	v32 =	vand.u32 $0xFFFF0000, v32;
	v48 =	vshrl.u32 v47, $0x10;
	v31 =	vand.u32 $0x80000000, v60  }
0xa6: {  	v26 =	vadd.s32 $0x7FFF, v26;
	v45 =	vmul.f32 v32, v10;
	v30 =	vmax.f32 v30, v51  }
0xa7: {  	v33 =	vand.u32 $0x1, v48;
	v26 =	vand.u32 $0xFFFF0000, v26;
	v28 =	vmul.f32 v30, v49  }
0xa8: {  	v30 =	vand.u32 $0x1, v59;
	v26 =	vmul.f32 v26, v8;
	v49 =	vshrl.u32 v46, $0x10  }
0xa9: {  	v53 =	vshrl.u32 v50, $0x10;
	v30 =	vadd.s32 v30, v57;
	v34 =	vand.u32 $0x1, v49  }
0xaa: {  	v30 =	vadd.s32 $0x7FFF, v30;
	v28 =	vxor.u32 v28, v54;
	v26 =	vadd.f32 v27, v26  }
0xab: {  	v27 =	vadd.s32 v39, v63;
	v32 =	vadd.s32 v34, v46;
	v30 =	vand.u32 $0xFFFF0000, v30  }
0xac: {  	v46 =	vmul.f32 v35, v35;
	v27 =	vadd.s32 $0x7FFF, v27;
	v62 =	vmul.f32 v30, v10  }
0xad: {  	v21 =	vsub.f32 v21, v28;
	v32 =	vadd.s32 $0x7FFF, v32;
	v30 =	vadd.s32 $0x7FFF, v41  }
0xae: {  	v27 =	vand.u32 $0xFFFF0000, v27;
	v30 =	vand.u32 $0xFFFF0000, v30;
	v26 =	vadd.f32 v62, v26  }
0xaf: {  	v43 =	vld [tilespmem:$0x2A80];
	v32 =	vand.u32 $0xFFFF0000, v32;
	v27 =	vmul.f32 v27, v8;
	v30 =	vmul.f32 v30, v9  }
0xb0: {  	v49 =	vshrl.u32 v46, $0x10;
	v32 =	vmul.f32 v32, v9;
	v44 =	vmul.f32 $9.999999770e-03, v26  }
0xb1: {  	v27 =	vadd.f32 v30, v27;
	v30 =	vadd.s32 v33, v47;
	v33 =	vand.u32 $0x1, v53  }
0xb2: {  	v47 =	vand.u32 $0x7FFFFFFF, v35;
	v30 =	vadd.s32 $0x7FFF, v30;
	v33 =	vadd.s32 v33, v50  }
0xb3: {  	v26 =	vmax.f32 v26, v44;
	v27 =	vadd.f32 v45, v27;
	v30 =	vand.u32 $0xFFFF0000, v30  }
0xb4: {  	v52 =	vld [tilespmem:$0x2B00];
	v48 =	vshrl.u32 v47, $0x10;
	v26 =	vmul.f32 v26, v43;
	v30 =	vmul.f32 v30, v8  }
0xb5: {  	v50 =	vmul.f32 v47, v46;
	v33 =	vadd.s32 $0x7FFF, v33;
	v51 =	vmul.f32 $9.999999770e-03, v27  }
0xb6: {  	v55 =	vand.u32 $0xFFFF0000, v33;
	v29 =	vxor.u32 v26, v29;
	v30 =	vadd.f32 v32, v30  }
0xb7: {  	v32 =	vsub.f32 v16, v15;
	v26 =	vadd.f32 v28, v18;
	v54 =	vmax.f32 v27, v51  }
0xb8: {  	v27 =	vmul.f32 v55, v10;
	v21 =	vsub.f32 v21, v29;
	v22 =	vadd.f32 v29, v22  }
0xb9: {  	v56 =	vmul.f32 v54, v52;
	v60 =	vmul.f32 v32, v32;
	v62 =	vand.u32 $0x7FFFFFFF, v32  }
0xba: {  	v51 =	vshrl.u32 v50, $0x10;
	v27 =	vadd.f32 v27, v30;
	v63 =	vshrl.u32 v62, $0x10  }
0xbb: {  	v30 =	vsub.f32 v16, v14;
	v57 =	vxor.u32 v56, v31;
	v36 =	vshrl.u32 v60, $0x10  }
0xbc: {  	v37 =	vand.u32 $0x1, v63;
	v59 =	vsub.f32 v21, v57;
	v21 =	vadd.f32 v57, v25  }
0xbd: {  	v61 =	vmul.f32 $9.999999770e-03, v27;
	v38 =	vand.u32 $0x1, v36;
	v25 =	vmul.f32 v62, v60  }
0xbe: {  	v58 =	vld [tilespmem:$0x2B80];
	v41 =	vand.u32 $0x7FFFFFFF, v30;
	v42 =	vmul.f32 v30, v30;
	v36 =	vand.u32 $0x1, v49  }
0xbf: {  	v30 =	vand.u32 $0x80000000, v30;
	v39 =	vadd.s32 v38, v60;
	v43 =	vshrl.u32 v41, $0x10  }
0xc0: {  	v60 =	vand.u32 $0x80000000, v32;
	v18 =	vmax.f32 v27, v61;
	v27 =	vadd.s32 v37, v62  }
0xc1: {  	v28 =	vadd.s32 $0x7FFF, v39;
	v40 =	vshrl.u32 v25, $0x10;
	v44 =	vshrl.u32 v42, $0x10  }
0xc2: {  	v33 =	vmul.f32 v41, v42;
	v62 =	vsub.f32 v16, v11;
	v16 =	vsub.f32 v16, v12  }
0xc3: {  	v18 =	vmul.f32 v18, v58;
	v27 =	vadd.s32 $0x7FFF, v27;
	v28 =	vand.u32 $0xFFFF0000, v28  }
0xc4: {  	v31 =	vand.u32 $0x1, v40;
	v27 =	vand.u32 $0xFFFF0000, v27;
	v28 =	vmul.f32 v28, v9  }
0xc5: {  	v25 =	vadd.s32 v31, v25;
	v31 =	vand.u32 $0x1, v44;
	v34 =	vshrl.u32 v33, $0x10  }
0xc6: {  	v37 =	vand.u32 $0x7FFFFFFF, v62;
	v49 =	vmul.f32 v16, v16;
	v27 =	vmul.f32 v27, v8  }
0xc7: {  	v25 =	vadd.s32 $0x7FFF, v25;
	v31 =	vadd.s32 v31, v42;
	v34 =	vand.u32 $0x1, v34  }
0xc8: {  	v38 =	vxor.u32 v18, v17;
	v17 =	vsub.f32 v19, v24;
	v40 =	vshrl.u32 v37, $0x10  }
0xc9: {  	v25 =	vand.u32 $0xFFFF0000, v25;
	v31 =	vadd.s32 $0x7FFF, v31;
	v45 =	vadd.s32 v34, v33  }
0xca: {  	v34 =	vand.u32 $0x1, v48;
	v33 =	vadd.s32 v36, v46;
	v18 =	vsub.f32 v59, v38  }
0xcb: {  	v19 =	vadd.f32 v38, v24;
	v38 =	vmul.f32 v62, v62;
	v27 =	vadd.f32 v28, v27  }
0xcc: {  	v28 =	vand.u32 $0x1, v43;
	v25 =	vmul.f32 v25, v10;
	v31 =	vand.u32 $0xFFFF0000, v31  }
0xcd: {  	v33 =	vadd.s32 $0x7FFF, v33;
	v28 =	vadd.s32 v28, v41;
	v31 =	vmul.f32 v31, v9  }
0xce: {  	v33 =	vand.u32 $0xFFFF0000, v33;
	v41 =	vshrl.u32 v38, $0x10;
	v42 =	vmul.f32 v37, v38  }
0xcf: {  	v28 =	vadd.s32 $0x7FFF, v28;
	v25 =	vadd.f32 v25, v27;
	v27 =	vadd.s32 $0x7FFF, v45  }
0xd0: {  	v33 =	vmul.f32 v33, v9;
	v29 =	vand.u32 $0x1, v41;
	v28 =	vand.u32 $0xFFFF0000, v28  }
0xd1: {  	v27 =	vand.u32 $0xFFFF0000, v27;
	v29 =	vadd.s32 v29, v38;
	v44 =	vshrl.u32 v42, $0x10  }
0xd2: {  	v52 =	vld [tilespmem:$0x2C00];
	v28 =	vmul.f32 v28, v8;
	v53 =	vmul.f32 $9.999999770e-03, v25;
	v29 =	vadd.s32 $0x7FFF, v29  }
0xd3: {  	v27 =	vmul.f32 v27, v10;
	v32 =	vand.u32 $0x1, v44;
	v29 =	vand.u32 $0xFFFF0000, v29  }
0xd4: {  	v32 =	vadd.s32 v32, v42;
	v28 =	vadd.f32 v31, v28;
	v31 =	vadd.s32 v34, v47  }
0xd5: {  	v34 =	vand.u32 $0x1, v51;
	v55 =	vmax.f32 v25, v53;
	v29 =	vmul.f32 v29, v9  }
0xd6: {  	v32 =	vadd.s32 $0x7FFF, v32;
	v47 =	vand.u32 $0x80000000, v35;
	v53 =	vand.u32 $0x80000000, v62  }
0xd7: {  	v31 =	vadd.s32 $0x7FFF, v31;
	v34 =	vadd.s32 v34, v50;
	v58 =	vmul.f32 v55, v52  }
0xd8: {  	v45 =	vand.u32 $0xFFFF0000, v32;
	v50 =	vand.u32 $0x7FFFFFFF, v16;
	v52 =	vshrl.u32 v49, $0x10  }
0xd9: {  	v16 =	vand.u32 $0x80000000, v16;
	v31 =	vand.u32 $0xFFFF0000, v31;
	v34 =	vadd.s32 $0x7FFF, v34  }
0xda: {  	v57 =	vld [tilespmem:$0x2C80];
	v56 =	vadd.f32 v27, v28;
	v28 =	vand.u32 $0x1, v40;
	v46 =	vmul.f32 v45, v10  }
0xdb: {  	v51 =	vshrl.u32 v50, $0x10;
	v40 =	vsub.f32 v15, v13;
	v31 =	vmul.f32 v31, v8  }
0xdc: {  	v34 =	vand.u32 $0xFFFF0000, v34;
	v28 =	vadd.s32 v28, v37;
	v61 =	vmul.f32 $9.999999770e-03, v56  }
0xdd: {  	v63 =	vxor.u32 v58, v60;
	v54 =	vmul.f32 v34, v10;
	v28 =	vadd.s32 $0x7FFF, v28  }
0xde: {  	v31 =	vadd.f32 v33, v31;
	v28 =	vand.u32 $0xFFFF0000, v28;
	v25 =	vmax.f32 v56, v61  }
0xdf: {  	v23 =	vsub.f32 v23, v63;
	v28 =	vmul.f32 v28, v8;
	v25 =	vmul.f32 v25, v57  }
0xe0: {  	v20 =	vadd.f32 v63, v20;
	v45 =	vand.u32 $0x7FFFFFFF, v40;
	v59 =	vadd.f32 v54, v31  }
0xe1: {  	v31 =	vand.u32 $0x1, v52;
	v28 =	vadd.f32 v29, v28;
	v25 =	vxor.u32 v25, v30  }
0xe2: {  	v43 =	vld [tilespmem:$0x2D00];
	v56 =	vadd.s32 v31, v49;
	v36 =	vmul.f32 $9.999999770e-03, v59;
	v23 =	vsub.f32 v23, v25  }
0xe3: {  	v30 =	vand.u32 $0x1, v51;
	v48 =	vadd.f32 v46, v28;
	v25 =	vadd.f32 v25, v26  }
0xe4: {  	v55 =	vadd.s32 v30, v50;
	v30 =	vadd.s32 $0x7FFF, v56;
	v26 =	vmul.f32 v50, v49  }
0xe5: {  	v46 =	vshrl.u32 v45, $0x10;
	v39 =	vmax.f32 v59, v36;
	v59 =	vsub.f32 v15, v14  }
0xe6: {  	v58 =	vand.u32 $0xFFFF0000, v30;
	v30 =	vsub.f32 v15, v11;
	v15 =	vsub.f32 v15, v12  }
0xe7: {  	v54 =	vld [tilespmem:$0x2D80];
	v27 =	vmul.f32 v39, v43;
	v29 =	vmul.f32 $9.999999770e-03, v48;
	v60 =	vshrl.u32 v26, $0x10  }
0xe8: {  	v43 =	vmul.f32 v40, v40;
	v31 =	vand.u32 $0x1, v60;
	v61 =	vmul.f32 v59, v59  }
0xe9: {  	v62 =	vand.u32 $0x7FFFFFFF, v59;
	v24 =	vxor.u32 v27, v47;
	v27 =	vmax.f32 v48, v29  }
0xea: {  	v29 =	vadd.s32 $0x7FFF, v55;
	v26 =	vadd.s32 v31, v26;
	v63 =	vshrl.u32 v62, $0x10  }
0xeb: {  	v47 =	vshrl.u32 v43, $0x10;
	v48 =	vmul.f32 v45, v43;
	v23 =	vsub.f32 v23, v24  }
0xec: {  	v57 =	vand.u32 $0xFFFF0000, v29;
	v29 =	vmul.f32 v58, v9;
	v27 =	vmul.f32 v27, v54  }
0xed: {  	v36 =	vshrl.u32 v61, $0x10;
	v37 =	vmul.f32 v62, v61;
	v26 =	vadd.s32 $0x7FFF, v26  }
0xee: {  	v31 =	vand.u32 $0x1, v63;
	v22 =	vadd.f32 v24, v22;
	v32 =	vand.u32 $0x1, v47  }
0xef: {  	v28 =	vmul.f32 v57, v8;
	v34 =	vand.u32 $0x1, v36;
	v26 =	vand.u32 $0xFFFF0000, v26  }
0xf0: {  	v50 =	vshrl.u32 v48, $0x10;
	v57 =	vand.u32 $0x80000000, v59;
	v38 =	vadd.s32 v34, v61  }
0xf1: {  	v39 =	vshrl.u32 v37, $0x10;
	v26 =	vmul.f32 v26, v10;
	v42 =	vxor.u32 v27, v53  }
0xf2: {  	v27 =	vadd.s32 v32, v43;
	v28 =	vadd.f32 v29, v28;
	v29 =	vadd.s32 v31, v62  }
0xf3: {  	v31 =	vadd.s32 $0x7FFF, v38;
	v33 =	vand.u32 $0x1, v39;
	v27 =	vadd.s32 $0x7FFF, v27  }
0xf4: {  	v23 =	vsub.f32 v23, v42;
	v21 =	vadd.f32 v42, v21;
	v62 =	vmul.f32 v30, v30  }
0xf5: {  	v39 =	vand.u32 $0x80000000, v40;
	v42 =	vmul.f32 v15, v15;
	v29 =	vadd.s32 $0x7FFF, v29  }
0xf6: {  	v31 =	vand.u32 $0xFFFF0000, v31;
	v33 =	vadd.s32 v33, v37;
	v27 =	vand.u32 $0xFFFF0000, v27  }
0xf7: {  	v29 =	vand.u32 $0xFFFF0000, v29;
	v31 =	vmul.f32 v31, v9;
	v33 =	vadd.s32 $0x7FFF, v33  }
0xf8: {  	v26 =	vadd.f32 v26, v28;
	v27 =	vmul.f32 v27, v9;
	v36 =	vshrl.u32 v62, $0x10  }
0xf9: {  	v51 =	vld [tilespmem:$0x2E00];
	v29 =	vmul.f32 v29, v8;
	v33 =	vand.u32 $0xFFFF0000, v33;
	v28 =	vand.u32 $0x1, v36  }
0xfa: {  	v41 =	vmul.f32 v33, v10;
	v49 =	vmul.f32 $9.999999770e-03, v26;
	v33 =	vand.u32 $0x7FFFFFFF, v30  }
0xfb: {  	v30 =	vand.u32 $0x80000000, v30;
	v29 =	vadd.f32 v31, v29;
	v31 =	vand.u32 $0x1, v46  }
0xfc: {  	v35 =	vshrl.u32 v33, $0x10;
	v37 =	vmul.f32 v33, v62;
	v26 =	vmax.f32 v26, v49  }
0xfd: {  	v44 =	vadd.f32 v41, v29;
	v29 =	vadd.s32 v31, v45;
	v31 =	vand.u32 $0x1, v50  }
0xfe: {  	v55 =	vmul.f32 v26, v51;
	v38 =	vshrl.u32 v37, $0x10;
	v41 =	vand.u32 $0x7FFFFFFF, v15  }
0xff: {  	v15 =	vand.u32 $0x80000000, v15;
	v29 =	vadd.s32 $0x7FFF, v29;
	v31 =	vadd.s32 v31, v48  }
0x100: {  	v43 =	vshrl.u32 v41, $0x10;
	v45 =	vmul.f32 v41, v42;
	v48 =	vsub.f32 v14, v13  }
0x101: {  	v52 =	vld [tilespmem:$0x2E80];
	v29 =	vand.u32 $0xFFFF0000, v29;
	v31 =	vadd.s32 $0x7FFF, v31;
	v53 =	vmul.f32 $9.999999770e-03, v44  }
0x102: {  	v24 =	vxor.u32 v55, v16;
	v29 =	vmul.f32 v29, v8;
	v31 =	vand.u32 $0xFFFF0000, v31  }
0x103: {  	v16 =	vsub.f32 v23, v24;
	v24 =	vadd.f32 v24, v19;
	v47 =	vshrl.u32 v45, $0x10  }
0x104: {  	v49 =	vmul.f32 v48, v48;
	v51 =	vand.u32 $0x7FFFFFFF, v48;
	v54 =	vmul.f32 v31, v10  }
0x105: {  	v56 =	vmax.f32 v44, v53;
	v44 =	vshrl.u32 v42, $0x10;
	v27 =	vadd.f32 v27, v29  }
0x106: {  	v26 =	vmul.f32 v52, v56;
	v52 =	vshrl.u32 v51, $0x10;
	v53 =	vshrl.u32 v49, $0x10  }
0x107: {  	v31 =	vand.u32 $0x1, v52;
	v32 =	vand.u32 $0x1, v53;
	v27 =	vadd.f32 v54, v27  }
0x108: {  	v59 =	vxor.u32 v26, v57;
	v54 =	vmul.f32 v51, v49;
	v29 =	vadd.s32 v32, v49  }
0x109: {  	v61 =	vsub.f32 v20, v59;
	v23 =	vadd.f32 v59, v25;
	v20 =	vadd.s32 v28, v62  }
0x10a: {  	v58 =	vld [tilespmem:$0x2F00];
	v29 =	vadd.s32 $0x7FFF, v29;
	v28 =	vand.u32 $0x80000000, v48;
	v60 =	vmul.f32 $9.999999770e-03, v27  }
0x10b: {  	v20 =	vadd.s32 $0x7FFF, v20;
	v56 =	vshrl.u32 v54, $0x10;
	v29 =	vand.u32 $0xFFFF0000, v29  }
0x10c: {  	v20 =	vand.u32 $0xFFFF0000, v20;
	v29 =	vmul.f32 v29, v9;
	v63 =	vmax.f32 v27, v60  }
0x10d: {  	v27 =	vand.u32 $0x1, v35;
	v20 =	vmul.f32 v20, v9;
	v60 =	vsub.f32 v14, v11  }
0x10e: {  	v14 =	vsub.f32 v14, v12;
	v26 =	vadd.s32 v27, v33;
	v27 =	vand.u32 $0x1, v38  }
0x10f: {  	v25 =	vmul.f32 v58, v63;
	v26 =	vadd.s32 $0x7FFF, v26;
	v27 =	vadd.s32 v27, v37  }
0x110: {  	v36 =	vand.u32 $0x7FFFFFFF, v60;
	v26 =	vand.u32 $0xFFFF0000, v26;
	v27 =	vadd.s32 $0x7FFF, v27  }
0x111: {  	v25 =	vxor.u32 v25, v39;
	v37 =	vshrl.u32 v36, $0x10;
	v26 =	vmul.f32 v26, v8  }
0x112: {  	v27 =	vand.u32 $0xFFFF0000, v27;
	v19 =	vsub.f32 v61, v25;
	v22 =	vadd.f32 v25, v22  }
0x113: {  	v25 =	vand.u32 $0x1, v43;
	v61 =	vmul.f32 v60, v60;
	v40 =	vmul.f32 v27, v10  }
0x114: {  	v25 =	vadd.s32 v25, v41;
	v27 =	vand.u32 $0x1, v47;
	v41 =	vand.u32 $0x1, v37  }
0x115: {  	v47 =	vmul.f32 v14, v14;
	v20 =	vadd.f32 v20, v26;
	v26 =	vand.u32 $0x1, v44  }
0x116: {  	v25 =	vadd.s32 $0x7FFF, v25;
	v27 =	vadd.s32 v27, v45;
	v38 =	vshrl.u32 v61, $0x10  }
0x117: {  	v39 =	vmul.f32 v36, v61;
	v26 =	vadd.s32 v26, v42;
	v25 =	vand.u32 $0xFFFF0000, v25  }
0x118: {  	v27 =	vadd.s32 $0x7FFF, v27;
	v42 =	vand.u32 $0x1, v38;
	v20 =	vadd.f32 v40, v20  }
0x119: {  	v26 =	vadd.s32 $0x7FFF, v26;
	v25 =	vmul.f32 v25, v8;
	v27 =	vand.u32 $0xFFFF0000, v27  }
0x11a: {  	v55 =	vld [tilespmem:$0x2F80];
	v43 =	vshrl.u32 v39, $0x10;
	v26 =	vand.u32 $0xFFFF0000, v26;
	v50 =	vmul.f32 v27, v10  }
0x11b: {  	v27 =	vadd.s32 v31, v51;
	v31 =	vand.u32 $0x1, v56;
	v46 =	vmul.f32 $9.999999770e-03, v20  }
0x11c: {  	v26 =	vmul.f32 v26, v9;
	v27 =	vadd.s32 $0x7FFF, v27;
	v31 =	vadd.s32 v31, v54  }
0x11d: {  	v27 =	vand.u32 $0xFFFF0000, v27;
	v31 =	vadd.s32 $0x7FFF, v31;
	v20 =	vmax.f32 v20, v46  }
0x11e: {  	v25 =	vadd.f32 v26, v25;
	v27 =	vmul.f32 v27, v8;
	v31 =	vand.u32 $0xFFFF0000, v31  }
0x11f: {  	v46 =	vand.u32 $0x7FFFFFFF, v14;
	v26 =	vand.u32 $0x80000000, v60;
	v20 =	vmul.f32 v55, v20  }
0x120: {  	v57 =	vld [tilespmem:$0x3000];
	v14 =	vand.u32 $0x80000000, v14;
	v59 =	vmul.f32 v31, v10;
	v25 =	vadd.f32 v50, v25  }
0x121: {  	v49 =	vshrl.u32 v46, $0x10;
	v27 =	vadd.f32 v29, v27;
	v20 =	vxor.u32 v20, v30  }
0x122: {  	v51 =	vmul.f32 v46, v47;
	v58 =	vmul.f32 $9.999999770e-03, v25;
	v30 =	vsub.f32 v19, v20  }
0x123: {  	v40 =	vld [tilespmem:$0x3080];
	v27 =	vadd.f32 v59, v27;
	v19 =	vadd.f32 v20, v21;
	v20 =	vadd.s32 v42, v61  }
0x124: {  	v50 =	vshrl.u32 v47, $0x10;
	v20 =	vadd.s32 $0x7FFF, v20;
	v25 =	vmax.f32 v25, v58  }
0x125: {  	v63 =	vmul.f32 $9.999999770e-03, v27;
	v20 =	vand.u32 $0xFFFF0000, v20;
	v25 =	vmul.f32 v57, v25  }
0x126: {  	v52 =	vand.u32 $0x1, v50;
	v53 =	vshrl.u32 v51, $0x10;
	v20 =	vmul.f32 v20, v9  }
0x127: {  	v27 =	vmax.f32 v27, v63;
	v62 =	vxor.u32 v25, v15;
	v15 =	vadd.s32 v41, v36  }
0x128: {  	v25 =	vand.u32 $0x1, v43;
	v27 =	vmul.f32 v40, v27;
	v15 =	vadd.s32 $0x7FFF, v15  }
0x129: {  	v25 =	vadd.s32 v25, v39;
	v21 =	vadd.f32 v62, v24;
	v15 =	vand.u32 $0xFFFF0000, v15  }
0x12a: {  	v25 =	vadd.s32 $0x7FFF, v25;
	v45 =	vxor.u32 v27, v28;
	v28 =	vand.u32 $0x1, v49  }
0x12b: {  	v27 =	vand.u32 $0x1, v53;
	v44 =	vmul.f32 v15, v8;
	v15 =	vsub.f32 v30, v62  }
0x12c: {  	v25 =	vand.u32 $0xFFFF0000, v25;
	v23 =	vsub.f32 v23, v45;
	v22 =	vadd.f32 v45, v22  }
0x12d: {  	v24 =	vadd.s32 v28, v46;
	v27 =	vadd.s32 v27, v51;
	v28 =	vsub.f32 v13, v11  }
0x12e: {  	v13 =	vsub.f32 v13, v12;
	v11 =	vsub.f32 v11, v12;
	v25 =	vmul.f32 v25, v10  }
0x12f: {  	v24 =	vadd.s32 $0x7FFF, v24;
	v27 =	vadd.s32 $0x7FFF, v27;
	v20 =	vadd.f32 v20, v44  }
0x130: {  	v24 =	vand.u32 $0xFFFF0000, v24;
	v27 =	vand.u32 $0xFFFF0000, v27;
	v54 =	vand.u32 $0x7FFFFFFF, v28  }
0x131: {  	v55 =	vmul.f32 v28, v28;
	v36 =	vmul.f32 v13, v13;
	v37 =	vand.u32 $0x7FFFFFFF, v13  }
0x132: {  	v44 =	vand.u32 $0x7FFFFFFF, v11;
	v45 =	vmul.f32 v11, v11;
	v24 =	vmul.f32 v24, v8  }
0x133: {  	v56 =	vmul.f32 v27, v10;
	v57 =	vshrl.u32 v54, $0x10;
	v38 =	vshrl.u32 v37, $0x10  }
0x134: {  	v46 =	vshrl.u32 v44, $0x10;
	v20 =	vadd.f32 v25, v20;
	v25 =	vadd.s32 v52, v47  }
0x135: {  	v27 =	vand.u32 $0x1, v57;
	v58 =	vshrl.u32 v55, $0x10;
	v59 =	vmul.f32 v54, v55  }
0x136: {  	v39 =	vmul.f32 v37, v36;
	v40 =	vshrl.u32 v36, $0x10;
	v47 =	vshrl.u32 v45, $0x10  }
0x137: {  	v25 =	vadd.s32 $0x7FFF, v25;
	v61 =	vadd.s32 v27, v54;
	v62 =	vand.u32 $0x1, v58  }
0x138: {  	v42 =	vand.u32 $0x1, v40;
	v30 =	vand.u32 $0x1, v47;
	v48 =	vmul.f32 $9.999999770e-03, v20  }
0x139: {  	v25 =	vand.u32 $0xFFFF0000, v25;
	v27 =	vadd.s32 v62, v55;
	v63 =	vshrl.u32 v59, $0x10  }
0x13a: {  	v60 =	vld [tilespmem:$0x3100];
	v43 =	vshrl.u32 v39, $0x10;
	v30 =	vadd.s32 v30, v45;
	v25 =	vmul.f32 v25, v9  }
0x13b: {  	v27 =	vadd.s32 $0x7FFF, v27;
	v29 =	vand.u32 $0x1, v63;
	v30 =	vadd.s32 $0x7FFF, v30  }
0x13c: {  	v20 =	vmax.f32 v20, v48;
	v27 =	vand.u32 $0xFFFF0000, v27;
	v29 =	vadd.s32 v29, v59  }
0x13d: {  	v48 =	vmul.f32 v44, v45;
	v30 =	vand.u32 $0xFFFF0000, v30;
	v24 =	vadd.f32 v25, v24  }
0x13e: {  	v25 =	vadd.s32 $0x7FFF, v61;
	v27 =	vmul.f32 v27, v9;
	v29 =	vadd.s32 $0x7FFF, v29  }
0x13f: {  	v20 =	vmul.f32 v60, v20;
	v30 =	vmul.f32 v30, v9;
	v25 =	vand.u32 $0xFFFF0000, v25  }
0x140: {  	v29 =	vand.u32 $0xFFFF0000, v29;
	v49 =	vshrl.u32 v48, $0x10;
	v24 =	vadd.f32 v56, v24  }
0x141: {  	v25 =	vmul.f32 v25, v8;
	v35 =	vmul.f32 v29, v10;
	v20 =	vxor.u32 v20, v26  }
0x142: {  	v26 =	vadd.s32 v42, v36;
	v29 =	vand.u32 $0x1, v46;
	v31 =	vand.u32 $0x1, v49  }
0x143: {  	v29 =	vadd.s32 v29, v44;
	v26 =	vadd.s32 $0x7FFF, v26;
	v31 =	vadd.s32 v31, v48  }
0x144: {  	v34 =	vmul.f32 $9.999999770e-03, v24;
	v25 =	vadd.f32 v27, v25;
	v27 =	vand.u32 $0x1, v38  }
0x145: {  	v26 =	vand.u32 $0xFFFF0000, v26;
	v29 =	vadd.s32 $0x7FFF, v29;
	v31 =	vadd.s32 $0x7FFF, v31  }
0x146: {  	v41 =	vadd.s32 v27, v37;
	v27 =	vand.u32 $0x1, v43;
	v26 =	vmul.f32 v26, v9  }
0x147: {  	v29 =	vand.u32 $0xFFFF0000, v29;
	v31 =	vand.u32 $0xFFFF0000, v31;
	v12 =	vadd.s32 $0x7FFF, v41  }
0x148: {  	v50 =	vld [tilespmem:$0x3180];
	v27 =	vadd.s32 v27, v39;
	v29 =	vmul.f32 v29, v8;
	v12 =	vand.u32 $0xFFFF0000, v12  }
0x149: {  	v25 =	vadd.f32 v35, v25;
	v27 =	vadd.s32 $0x7FFF, v27;
	v12 =	vmul.f32 v12, v8  }
0x14a: {  	v51 =	vld [tilespmem:$0x3200];
	v52 =	vmul.f32 v31, v10;
	v27 =	vand.u32 $0xFFFF0000, v27;
	v29 =	vadd.f32 v30, v29  }
0x14b: {  	v60 =	vand.u32 $0x80000000, v28;
	v27 =	vmul.f32 v27, v10;
	v12 =	vadd.f32 v26, v12  }
0x14c: {  	v56 =	vld [tilespmem:$0x3300];
	v24 =	vmax.f32 v24, v34;
	v53 =	vmul.f32 $9.999999770e-03, v25;
	v55 =	vadd.f32 v52, v29  }
0x14d: {  	v54 =	vld [tilespmem:$0x3280];
	v23 =	vsub.f32 v23, v20;
	v24 =	vmul.f32 v50, v24;
	v12 =	vadd.f32 v27, v12  }
0x14e: {  	v19 =	vadd.f32 v20, v19;
	v57 =	vmax.f32 v25, v53;
	v59 =	vmul.f32 $9.999999770e-03, v55  }
0x14f: {  	v14 =	vxor.u32 v24, v14;
	v24 =	vmul.f32 v51, v57;
	v58 =	vmul.f32 $9.999999770e-03, v12  }
0x150: {  	v23 =	vsub.f32 v23, v14;
	v14 =	vadd.f32 v14, v21;
	v20 =	vmax.f32 v55, v59  }
0x151: {  	v21 =	vxor.u32 v24, v60;
	v20 =	vmul.f32 v56, v20;
	v12 =	vmax.f32 v12, v58  }
0x152: {  	v11 =	vand.u32 $0x80000000, v11;
	[tilespmem:s13+$0x1000] =	vst v17;
	v62 =	vadd.f32 v21, v19;
	v12 =	vmul.f32 v54, v12  }
0x153: {  	v13 =	vand.u32 $0x80000000, v13;
	[tilespmem:s13+$0x1080] =	vst v18;
	v61 =	vsub.f32 v22, v21;
	v11 =	vxor.u32 v20, v11  }
0x154: {  	p0 =	sne.s32 s12, $0x1F0;
	[tilespmem:s13+$0x1100] =	vst v16;
	v63 =	vsub.f32 v62, v11;
	v12 =	vxor.u32 v12, v13  }
.Ltmp0:
0x155: {  	[tilespmem:s14+$0x1000] =	vst v15;
	v13 =	vsub.f32 v61, v12;
	v12 =	vadd.f32 v12, v14;
	(pc) =	sbr.rel @p0 .LBB2_2-.Ltmp0, $4  }
0x156: {  	[tilespmem:s13+$0x1200] =	vst v23  }
0x157: {  	[tilespmem:s13+$0x1300] =	vst v63;
	v11 =	vadd.f32 v11, v12  }
0x158: {  	[tilespmem:s13+$0x1280] =	vst v13  }
0x159: {  	s11 =	sadd.s32 $0x80, s11;
	s12 =	sadd.s32 $0x10, s12;
	[tilespmem:s15+$0x1000] =	vst v11  }
0x15a: {  	s10 =	sadd.s32 $0x1, s10  }
0x15b: {  	p0 =	sne.s32 s10, s6  }
.Ltmp1:
0x15c: {  	_ = 	snop;
	(pc) =	sbr.rel @p0 .LBB2_1-.Ltmp1, $4  }
0x15d: {  	[hbm4b:s5+s3] =	stream.linear.scatter [tilespmem:s9], [sflag:$0x1], $0x1000, $0x38;
	[tilespmem:$0x3400] =	vst v63  }
0x15e: {  	_ =	swait.ge [sflag:s7], $0x1000  }
0x15f: {  	[sflag:s7] =	ssyncset.done $0x0  }
0x160: {  	[sflag:s7] =	ssyncadd.s32 $0xFFFFF000  }
0x161: {  	_ =	sfence.sel $0x180000  }
0x162: {  	[bflag:$0x0] =	sbarrier.arrive $0xFFFF  }
0x163: {  	p0 =	sne.s32 s2, $0x0;
	_ =	strace $0x90000047  }
0x164: {  	s0 =	sadd.s32 @!p0 $0x100000, s0;
	[bflag:$0x2] =	sbarrier.arrive $0xFFFF  }
0x165: {  	[sflag:s0] =	ssyncadd.tile.s32 @!p0 $0x1;
	_ =	shalt  }
.Lfunc_end2:
_tile_overlayer_lowered:
.L_overlay_start_2:
0x166: {  	(tag) =	ssettag $0x2  }
0x167: {  	s0 =	rddreg [dreg:$0x0];
	s2 =	stileid.u32  }
0x168: {  	s1 =	rddreg [dreg:$0x1];
	p0 =	sne.s32 s2, $0x0  }
0x169: {  	s3 =	rddreg [dreg:$0x2];
	[bflag:$0x3] =	sbarrier.arrive $0xFFFF;
	s2 =	simm.s32 @!p0 $0x1C01  }
0x16a: {  	[timem:s3], [sflag:s2] =	dma.local @!p0 [hbm:s0], s1  }
0x16b: {  	s0 =	simm.s32 @!p0 $0x1  }
0x16c: {  	_ =	swait.ge @!p0 [sflag:s0], s1  }
0x16d: {  	s1 =	ssub.s32 @!p0 $0x0, s1;
	[sflag:s0] =	ssyncset.done @!p0 $0x0  }
0x16e: {  	[sflag:s0] =	ssyncadd.s32 @!p0 s1  }
0x16f: {  	[bflag:$0x3] =	sbarrier.arrive $0xFFFF  }
0x170: {  	_ =	shalt  }

</sc_bundles>
